<compile_context>
chip_gen: v7x
topology: tpu7x:2x2x1
jax: 0.10.2.dev20260603
libtpu: 0.0.44.dev20260713+nightly
codegen_flags: <defaults>
</compile_context>

<pallas_src>
import functools

import jax
import jax.numpy as jnp
from jax import lax
from jax.experimental import pallas as pl
from jax.experimental.pallas import tpu as pltpu
from jax.experimental.pallas import tpu_sc as plsc

NC = 2
NS = 16
LANES = 16
CHUNK = 128


def _sc_mesh():
  return plsc.VectorSubcoreMesh(
      core_axis_name="c", subcore_axis_name="s", num_cores=NC, num_subcores=NS
  )


def _make_deg_kernel(n, e):
  nw = NC * NS
  per_w = e // nw
  full = per_w // LANES
  rem = per_w - full * LANES
  buf = (full + (1 if rem else 0)) * LANES

  @functools.partial(
      pl.kernel,
      out_type=jax.ShapeDtypeStruct((nw, n), jnp.float32),
      mesh=_sc_mesh(),
      compiler_params=pltpu.CompilerParams(needs_layout_passes=False, use_tc_tiling_on_sc=False),
      scratch_types=[
          pltpu.VMEM((buf,), jnp.int32),
          pltpu.VMEM((n,), jnp.float32),
      ],
  )
  def deg_kernel(dst_hbm, hist_out, dst_v, hist_v):
    cid = lax.axis_index("c")
    sid = lax.axis_index("s")
    w = sid * NC + cid

    def zero_body(i, carry):
      hist_v[pl.ds(i * LANES, LANES)] = jnp.zeros((LANES,), jnp.float32)
      return carry

    lax.fori_loop(0, n // LANES, zero_body, 0)
    pltpu.sync_copy(dst_hbm.at[pl.ds(w * per_w, per_w)],
                    dst_v.at[pl.ds(0, per_w)])
    ones = jnp.ones((LANES,), jnp.float32)

    def body(i, carry):
      idx = dst_v[pl.ds(i * LANES, LANES)]
      plsc.addupdate_scatter(hist_v, [idx], ones)
      return carry

    lax.fori_loop(0, full, body, 0)
    if rem:
      idx = dst_v[pl.ds(full * LANES, LANES)]
      idx = jnp.clip(idx, 0, n - 1)
      m = lax.iota(jnp.int32, LANES) < rem
      plsc.addupdate_scatter(hist_v, [idx], ones, mask=m)
    pltpu.sync_copy(hist_v, hist_out.at[w])

  return deg_kernel


def _mm_body(x_ref, w_ref, hist_ref, ones_ref, y_ref, dinv_ref):
  deg = lax.dot_general(
      hist_ref[...], ones_ref[...],
      dimension_numbers=(((0,), (0,)), ((), ())),
      preferred_element_type=jnp.float32,
  )
  dinv = lax.rsqrt(deg + 1.0)
  y = jnp.dot(x_ref[...], w_ref[...], preferred_element_type=jnp.float32)
  y_ref[...] = y * dinv
  dinv_ref[...] = dinv


def _make_mm_call(n, d_in):
  nw = NC * NS
  nchunks = 4
  return pl.pallas_call(
      _mm_body,
      grid=(nchunks,),
      in_specs=[
          pl.BlockSpec((n, d_in), lambda c: (0, 0)),
          pl.BlockSpec((d_in, CHUNK), lambda c: (0, c)),
          pl.BlockSpec((nw, n), lambda c: (0, 0)),
          pl.BlockSpec((nw, 1), lambda c: (0, 0)),
      ],
      out_specs=[
          pl.BlockSpec((n, CHUNK), lambda c: (c, 0)),
          pl.BlockSpec((n, 1), lambda c: (0, 0)),
      ],
      out_shape=[
          jax.ShapeDtypeStruct((nchunks * n, CHUNK), jnp.float32),
          jax.ShapeDtypeStruct((n, 1), jnp.float32),
      ],
  )


def _make_scatter_kernel(n, e):
  eb = 80
  rows = e // eb
  tpr = rows // NS
  own = n // NS
  assert rows * eb == e and tpr * NS == rows
  assert (tpr - 2) % 3 == 0

  @functools.partial(
      pl.kernel,
      out_type=jax.ShapeDtypeStruct((4 * n, CHUNK), jnp.float32),
      mesh=_sc_mesh(),
      compiler_params=pltpu.CompilerParams(needs_layout_passes=False, use_tc_tiling_on_sc=False),
      scratch_types=[
          pltpu.VMEM((tpr * eb,), jnp.int32),
          pltpu.VMEM((eb,), jnp.int32),
          pltpu.VMEM((eb,), jnp.int32),
          pltpu.VMEM((eb,), jnp.int32),
          pltpu.VMEM((eb, CHUNK), jnp.float32),
          pltpu.VMEM((eb, CHUNK), jnp.float32),
          pltpu.VMEM((eb, CHUNK), jnp.float32),
          pltpu.VMEM_SHARED((n, CHUNK), jnp.float32),
          pltpu.SemaphoreType.DMA,
          pltpu.SemaphoreType.DMA,
          pltpu.SemaphoreType.DMA,
          pltpu.SemaphoreType.DMA,
          pltpu.SemaphoreType.DMA,
          pltpu.SemaphoreType.DMA,
          pltpu.SemaphoreType.DMA,
          pltpu.SemaphoreType.DMA,
          pltpu.SemaphoreType.DMA,
      ],
  )
  def scatter_kernel(y_hbm, src_hbm, dst_hbm, z_out,
                     src_v, db0, db1, db2, gb0, gb1, gb2, z_sh,
                     g0, g1, g2, d0, d1, d2, s0, s1, s2):
    cid = lax.axis_index("c")
    sid = lax.axis_index("s")
    row_lo = sid * tpr
    dbufs = (db0, db1, db2)
    gbufs = (gb0, gb1, gb2)
    gsems = (g0, g1, g2)
    dsems = (d0, d1, d2)
    ssems = (s0, s1, s2)
    pltpu.sync_copy(src_hbm.at[pl.ds(row_lo * eb, tpr * eb)], src_v)

    def dstload(j, r):
      pltpu.async_copy(dst_hbm.at[pl.ds((row_lo + j) * eb, eb)],
                       dbufs[r], dsems[r])

    def dwait(r):
      pltpu.make_async_copy(dst_hbm.at[pl.ds(0, eb)],
                            dbufs[r], dsems[r]).wait()

    def gwait(r):
      pltpu.make_async_copy(y_hbm.at[pl.ds(0, eb)], gbufs[r], gsems[r]).wait()

    def swait(r):
      pltpu.make_async_copy(y_hbm.at[pl.ds(0, eb)], gbufs[r], ssems[r]).wait()

    for p in range(2):
      c = 2 * cid + p
      base = c * n
      table = y_hbm.at[pl.ds(base, n)]

      def gather(j, r):
        pltpu.async_copy(table.at[src_v.at[pl.ds(j * eb, eb)]],
                         gbufs[r], gsems[r])

      def scatter(r):
        pltpu.async_copy(gbufs[r], z_sh.at[dbufs[r]], ssems[r], add=True)

      pltpu.sync_copy(y_hbm.at[pl.ds(base + sid * own, own)],
                      z_sh.at[pl.ds(sid * own, own)])
      plsc.subcore_barrier()

      gather(0, 0)
      dstload(0, 0)
      gather(1, 1)
      dstload(1, 1)
      gather(2, 2)
      dstload(2, 2)
      gwait(0)
      dwait(0)
      scatter(0)
      swait(0)
      gather(3, 0)
      dstload(3, 0)
      gwait(1)
      dwait(1)
      scatter(1)

      def body(k, carry):
        jb = 2 + 3 * k
        for m in range(3):
          j = jb + m
          r = (2 + m) % 3
          rn = (r + 2) % 3
          swait(rn)

          @pl.when(j + 2 < tpr)
          def _():
            gather(j + 2, rn)
            dstload(j + 2, rn)

          gwait(r)
          dwait(r)
          scatter(r)
        return carry

      lax.fori_loop(0, (tpr - 2) // 3, body, 0)
      swait((tpr - 1) % 3)
      plsc.subcore_barrier()
      pltpu.sync_copy(z_sh.at[pl.ds(sid * own, own)],
                      z_out.at[pl.ds(base + sid * own, own)])

  return scatter_kernel


def _final_body(z_ref, dinv_ref, bmu_ref, bls_ref, mu_ref, ls_ref):
  z = z_ref[...]
  dinv = dinv_ref[...]
  mu_ref[...] = jnp.concatenate([z[0], z[1]], axis=-1) * dinv + bmu_ref[...]
  ls_ref[...] = jnp.concatenate([z[2], z[3]], axis=-1) * dinv + bls_ref[...]


def _make_final_call(n, d_out):
  bm = 1000
  return pl.pallas_call(
      _final_body,
      grid=(n // bm,),
      in_specs=[
          pl.BlockSpec((4, bm, CHUNK), lambda i: (0, i, 0)),
          pl.BlockSpec((bm, 1), lambda i: (i, 0)),
          pl.BlockSpec((1, d_out), lambda i: (0, 0)),
          pl.BlockSpec((1, d_out), lambda i: (0, 0)),
      ],
      out_specs=[
          pl.BlockSpec((bm, d_out), lambda i: (i, 0)),
          pl.BlockSpec((bm, d_out), lambda i: (i, 0)),
      ],
      out_shape=[
          jax.ShapeDtypeStruct((n, d_out), jnp.float32),
          jax.ShapeDtypeStruct((n, d_out), jnp.float32),
      ],
  )


def kernel(x, edge_index, W_mu, b_mu, W_logstd, b_logstd):
  n, d_in = x.shape
  e = edge_index.shape[1]
  d_out = W_mu.shape[1]
  nw = NC * NS

  src = edge_index[0]
  dst = edge_index[1]
  w_cat = jnp.concatenate([W_mu, W_logstd], axis=1)

  hist = _make_deg_kernel(n, e)(dst)
  ones = jnp.ones((nw, 1), jnp.float32)
  y_flat, dinv = _make_mm_call(n, d_in)(x, w_cat, hist, ones)
  z_flat = _make_scatter_kernel(n, e)(y_flat, src, dst)
  z4 = z_flat.reshape(4, n, CHUNK)
  bmu2 = b_mu.reshape(1, d_out)
  bls2 = b_logstd.reshape(1, d_out)
  mu, logstd = _make_final_call(n, d_out)(z4, dinv, bmu2, bls2)
  return (mu, logstd)

# --- scband reference (transcript-rebuilt; emitter-appended) ---
"""Pipeline reference for scband-variational-linear-encoder-6279242187153 (READ-ONLY COPY).

The authoritative reference and input builder live on the scoring server;
editing this copy changes nothing except your own understanding.
"""

import jax, jax.numpy as jnp
import numpy as np

N = 10000
E = 160000
D_IN = 256
D_OUT = 256


def glorot(key, shape):
    limit = np.sqrt(6.0 / (shape[0] + shape[1]))
    return jax.random.uniform(key, shape, jnp.float32, -limit, limit)


def setup_inputs(seed: int = 0) -> dict:
    key = jax.random.key(seed)
    k1, k2, k3, k4 = jax.random.split(key, 4)
    x = jax.random.normal(k1, (N, D_IN), jnp.float32)
    edge_index = jax.random.randint(k2, (2, E), 0, N, dtype=jnp.int32)
    W_mu = glorot(k3, (D_IN, D_OUT))
    b_mu = jnp.zeros((D_OUT,), jnp.float32)
    W_logstd = glorot(k4, (D_IN, D_OUT))
    b_logstd = jnp.zeros((D_OUT,), jnp.float32)
    return {"x": x, "edge_index": edge_index, "W_mu": W_mu, "b_mu": b_mu,
            "W_logstd": W_logstd, "b_logstd": b_logstd}


def gcn_conv(x, edge_index, W, b):
    # PyG GCNConv: add self-loops, symmetric normalization D^-1/2 (A+I) D^-1/2 X W + b
    n = x.shape[0]
    loops = jnp.arange(n, dtype=edge_index.dtype)
    src = jnp.concatenate([edge_index[0], loops])
    dst = jnp.concatenate([edge_index[1], loops])
    deg = jnp.zeros((n,), x.dtype).at[dst].add(1.0)
    dinv = jnp.where(deg > 0, deg ** -0.5, 0.0)
    norm = dinv[src] * dinv[dst]
    xw = x @ W
    msg = xw[src] * norm[:, None]
    out = jnp.zeros((n, W.shape[1]), x.dtype).at[dst].add(msg)
    return out + b


def reference(x, edge_index, W_mu, b_mu, W_logstd, b_logstd):
    mu = gcn_conv(x, edge_index, W_mu, b_mu)
    logstd = gcn_conv(x, edge_index, W_logstd, b_logstd)
    return (mu, logstd)

if __name__ == "__main__":
    import jax
    _d = setup_inputs()
    print(jax.jit(kernel)(*tuple(_d.values())))

</pallas_src>

<mosaic_0001>
#map = affine_map<(d0, d1) -> (0)>
#map1 = affine_map<(d0, d1) -> (0, 0)>
module attributes {stable_mosaic.version = 14 : i64} {
  func.func @deg_kernel(%arg0: i32, %arg1: i32, %arg2: memref<160000xi32, #tpu.memory_space<hbm>>, %arg3: memref<32x10000xf32, #tpu.memory_space<hbm>>, %arg4: memref<5008xi32, #tpu.memory_space<vmem>>, %arg5: memref<10000xf32, #tpu.memory_space<vmem>>) attributes {dimension_semantics = [#tpu.dimension_semantics<core_parallel>, #tpu.dimension_semantics<subcore_parallel>], iteration_bounds = array<i64: 2, 16>, scalar_prefetch = 0 : i64, scratch_operands = 2 : i64, tpu.core_type = #tpu.core_type<sc_vector_subcore>, window_params = [{transform_indices = #map}, {transform_indices = #map1}]} {
    %mul3A = arith.constant 2 : i32
    %mul3A_0 = arith.muli %arg1, %mul3A : i32
    %add3A = arith.addi %mul3A_0, %arg0 : i32
    %scan3A = arith.constant 0 : i32
    %scan3A_1 = arith.constant 0 : i32
    %scan3A_2 = arith.constant 625 : i32
    %scan3A_3 = arith.addi %scan3A_1, %scan3A_2 : i32
    %scan3A_4 = arith.constant 1 : i32
    scf.for %scan3A_21 = %scan3A_1 to %scan3A_3 step %scan3A_4  : i32 {
      %broadcast_in_dim3A_22 = arith.constant 0.000000e+00 : f32
      %broadcast_in_dim3A_23 = vector.broadcast %broadcast_in_dim3A_22 : f32 to vector<16xf32>
      %mul3A_24 = arith.constant 16 : i32
      %mul3A_25 = arith.muli %scan3A_21, %mul3A_24 : i32
      %swap3A = arith.index_cast %mul3A_25 : i32 to index
      %swap3A_26 = tpu.vector_load %arg5[%swap3A] {strides = array<i32>} : memref<10000xf32, #tpu.memory_space<vmem>>, vector<16xf32>,
      tpu.vector_store %arg5[%swap3A], %broadcast_in_dim3A_23 {strides = array<i32>} : memref<10000xf32, #tpu.memory_space<vmem>>, vector<16xf32>,
    }
    %scan3A_5 = arith.constant 625 : i32
    %mul3A_6 = arith.constant 5000 : i32
    %mul3A_7 = arith.muli %add3A, %mul3A_6 : i32
    "tpu.region"() ({
      %run_scoped3A = tpu.sem_alloc : memref<!tpu.dma_semaphore, #tpu.memory_space<semaphore_mem>>
      %dma_start3A = arith.constant 0 : i32
      %dma_start3A_21 = tpu.memref_slice %arg4[%dma_start3A] : memref<5008xi32, #tpu.memory_space<vmem>> -> memref<5000xi32, #tpu.memory_space<vmem>>
      %dma_start3A_22 = tpu.memref_slice %arg2[%mul3A_7] : memref<160000xi32, #tpu.memory_space<hbm>> -> memref<5000xi32, #tpu.memory_space<hbm>>
      %dma_start3A_23 = arith.constant 0 : i32
      %dma_start3A_24 = tpu.memref_slice %arg4[%dma_start3A_23] : memref<5008xi32, #tpu.memory_space<vmem>> -> memref<5000xi32, #tpu.memory_space<vmem>>
      %dma_start3A_25 = tpu.memref_slice %arg2[%mul3A_7] : memref<160000xi32, #tpu.memory_space<hbm>> -> memref<5000xi32, #tpu.memory_space<hbm>>
      tpu.enqueue_dma source(%dma_start3A_25 : memref<5000xi32, #tpu.memory_space<hbm>>) target(%dma_start3A_24 : memref<5000xi32, #tpu.memory_space<vmem>>) target_semaphore(%run_scoped3A : memref<!tpu.dma_semaphore, #tpu.memory_space<semaphore_mem>>)
      %dma_wait3A = arith.constant 0 : i32
      %dma_wait3A_26 = tpu.memref_slice %arg4[%dma_wait3A] : memref<5008xi32, #tpu.memory_space<vmem>> -> memref<5000xi32, #tpu.memory_space<vmem>>
      %dma_wait3A_27 = tpu.memref_slice %arg2[%mul3A_7] : memref<160000xi32, #tpu.memory_space<hbm>> -> memref<5000xi32, #tpu.memory_space<hbm>>
      %dma_wait3A_28 = arith.constant 0 : i32
      %dma_wait3A_29 = tpu.memref_slice %arg4[%dma_wait3A_28] : memref<5008xi32, #tpu.memory_space<vmem>> -> memref<5000xi32, #tpu.memory_space<vmem>>
      %dma_wait3A_30 = tpu.memref_slice %arg2[%mul3A_7] : memref<160000xi32, #tpu.memory_space<hbm>> -> memref<5000xi32, #tpu.memory_space<hbm>>
      tpu.wait_dma2 semaphore(%run_scoped3A : memref<!tpu.dma_semaphore, #tpu.memory_space<semaphore_mem>>) src(%dma_wait3A_30 : memref<5000xi32, #tpu.memory_space<hbm>>) dst(%dma_wait3A_29 : memref<5000xi32, #tpu.memory_space<vmem>>)
      tpu.yield
    }) : () -> ()
    %broadcast_in_dim3A = arith.constant 1.000000e+00 : f32
    %broadcast_in_dim3A_8 = vector.broadcast %broadcast_in_dim3A : f32 to vector<16xf32>
    %scan3A_9 = arith.constant 0 : i32
    %scan3A_10 = arith.constant 0 : i32
    %scan3A_11 = arith.constant 312 : i32
    %scan3A_12 = arith.addi %scan3A_10, %scan3A_11 : i32
    %scan3A_13 = arith.constant 1 : i32
    scf.for %scan3A_21 = %scan3A_10 to %scan3A_12 step %scan3A_13  : i32 {
      %mul3A_22 = arith.constant 16 : i32
      %mul3A_23 = arith.muli %scan3A_21, %mul3A_22 : i32
      %get3A_24 = arith.index_cast %mul3A_23 : i32 to index
      %get3A_25 = tpu.vector_load %arg4[%get3A_24] {strides = array<i32>} : memref<5008xi32, #tpu.memory_space<vmem>>, vector<16xi32>,
      tpu.vector_store_idx %arg5[%get3A_25], %broadcast_in_dim3A_8 {add = true} : memref<10000xf32, #tpu.memory_space<vmem>>[vector<16xi32>], vector<16xf32>,
    }
    %scan3A_14 = arith.constant 312 : i32
    %get3A = arith.constant 4992 : index
    %get3A_15 = tpu.vector_load %arg4[%get3A] {strides = array<i32>} : memref<5008xi32, #tpu.memory_space<vmem>>, vector<16xi32>,
    %jit3A = arith.constant 0 : i32
    %jit3A_16 = arith.constant 9999 : i32
    %max3A = vector.broadcast %jit3A : i32 to vector<16xi32>
    %max3A_17 = arith.maxsi %max3A, %get3A_15 : vector<16xi32>
    %min3A = vector.broadcast %jit3A_16 : i32 to vector<16xi32>
    %min3A_18 = arith.minsi %min3A, %max3A_17 : vector<16xi32>
    %iota3A = tpu.iota {dimensions = array<i32: 0>} : vector<16xi32>
    %lt3A = arith.constant 8 : i32
    %lt3A_19 = vector.broadcast %lt3A : i32 to vector<16xi32>
    %lt3A_20 = arith.cmpi slt, %iota3A, %lt3A_19 : vector<16xi32>
    tpu.vector_store_idx %arg5[%min3A_18], %broadcast_in_dim3A_8 masked %lt3A_20 {add = true} : memref<10000xf32, #tpu.memory_space<vmem>>[vector<16xi32>], vector<16xf32>, vector<16xi1>
    "tpu.region"() ({
      %run_scoped3A = tpu.sem_alloc : memref<!tpu.dma_semaphore, #tpu.memory_space<semaphore_mem>>
      %dma_start3A = arith.constant 0 : i32
      %dma_start3A_21 = tpu.memref_slice %arg3[%add3A, %dma_start3A] : memref<32x10000xf32, #tpu.memory_space<hbm>> -> memref<1x10000xf32, #tpu.memory_space<hbm>>
      %dma_start3A_22 = tpu.memref_squeeze %dma_start3A_21 : memref<1x10000xf32, #tpu.memory_space<hbm>> -> memref<10000xf32, #tpu.memory_space<hbm>>
      %dma_start3A_23 = arith.constant 0 : i32
      %dma_start3A_24 = tpu.memref_slice %arg3[%add3A, %dma_start3A_23] : memref<32x10000xf32, #tpu.memory_space<hbm>> -> memref<1x10000xf32, #tpu.memory_space<hbm>>
      %dma_start3A_25 = tpu.memref_squeeze %dma_start3A_24 : memref<1x10000xf32, #tpu.memory_space<hbm>> -> memref<10000xf32, #tpu.memory_space<hbm>>
      tpu.enqueue_dma source(%arg5 : memref<10000xf32, #tpu.memory_space<vmem>>) target(%dma_start3A_25 : memref<10000xf32, #tpu.memory_space<hbm>>) target_semaphore(%run_scoped3A : memref<!tpu.dma_semaphore, #tpu.memory_space<semaphore_mem>>)
      %dma_wait3A = arith.constant 0 : i32
      %dma_wait3A_26 = tpu.memref_slice %arg3[%add3A, %dma_wait3A] : memref<32x10000xf32, #tpu.memory_space<hbm>> -> memref<1x10000xf32, #tpu.memory_space<hbm>>
      %dma_wait3A_27 = tpu.memref_squeeze %dma_wait3A_26 : memref<1x10000xf32, #tpu.memory_space<hbm>> -> memref<10000xf32, #tpu.memory_space<hbm>>
      %dma_wait3A_28 = arith.constant 0 : i32
      %dma_wait3A_29 = tpu.memref_slice %arg3[%add3A, %dma_wait3A_28] : memref<32x10000xf32, #tpu.memory_space<hbm>> -> memref<1x10000xf32, #tpu.memory_space<hbm>>
      %dma_wait3A_30 = tpu.memref_squeeze %dma_wait3A_29 : memref<1x10000xf32, #tpu.memory_space<hbm>> -> memref<10000xf32, #tpu.memory_space<hbm>>
      tpu.wait_dma2 semaphore(%run_scoped3A : memref<!tpu.dma_semaphore, #tpu.memory_space<semaphore_mem>>) src(%arg5 : memref<10000xf32, #tpu.memory_space<vmem>>) dst(%dma_wait3A_30 : memref<10000xf32, #tpu.memory_space<hbm>>)
      tpu.yield
    }) : () -> ()
    return
  }
}

#map = affine_map<(d0, d1) -> (0, 0)>
#map1 = affine_map<(d0, d1) -> (0)>
module attributes {stable_mosaic.version = 14 : i64} {
  func.func @scatter_kernel(%arg0: i32, %arg1: i32, %arg2: memref<40000x128xf32, #tpu.memory_space<hbm>>, %arg3: memref<160000xi32, #tpu.memory_space<hbm>>, %arg4: memref<160000xi32, #tpu.memory_space<hbm>>, %arg5: memref<40000x128xf32, #tpu.memory_space<hbm>>, %arg6: memref<10000xi32, #tpu.memory_space<vmem>>, %arg7: memref<80xi32, #tpu.memory_space<vmem>>, %arg8: memref<80xi32, #tpu.memory_space<vmem>>, %arg9: memref<80xi32, #tpu.memory_space<vmem>>, %arg10: memref<80x128xf32, #tpu.memory_space<vmem>>, %arg11: memref<80x128xf32, #tpu.memory_space<vmem>>, %arg12: memref<80x128xf32, #tpu.memory_space<vmem>>, %arg13: memref<10000x128xf32, #tpu.memory_space<vmem_shared>>, %arg14: memref<!tpu.dma_semaphore, #tpu.memory_space<semaphore_mem>>, %arg15: memref<!tpu.dma_semaphore, #tpu.memory_space<semaphore_mem>>, %arg16: memref<!tpu.dma_semaphore, #tpu.memory_space<semaphore_mem>>, %arg17: memref<!tpu.dma_semaphore, #tpu.memory_space<semaphore_mem>>, %arg18: memref<!tpu.dma_semaphore, #tpu.memory_space<semaphore_mem>>, %arg19: memref<!tpu.dma_semaphore, #tpu.memory_space<semaphore_mem>>, %arg20: memref<!tpu.dma_semaphore, #tpu.memory_space<semaphore_mem>>, %arg21: memref<!tpu.dma_semaphore, #tpu.memory_space<semaphore_mem>>, %arg22: memref<!tpu.dma_semaphore, #tpu.memory_space<semaphore_mem>>) attributes {dimension_semantics = [#tpu.dimension_semantics<core_parallel>, #tpu.dimension_semantics<subcore_parallel>], iteration_bounds = array<i64: 2, 16>, scalar_prefetch = 0 : i64, scratch_operands = 17 : i64, tpu.core_type = #tpu.core_type<sc_vector_subcore>, window_params = [{transform_indices = #map}, {transform_indices = #map1}, {transform_indices = #map1}, {transform_indices = #map}]} {
    %mul3A = arith.constant 125 : i32
    %mul3A_0 = arith.muli %arg1, %mul3A : i32
    %mul3A_1 = arith.constant 80 : i32
    %mul3A_2 = arith.muli %mul3A_0, %mul3A_1 : i32
    "tpu.region"() ({
      %run_scoped3A = tpu.sem_alloc : memref<!tpu.dma_semaphore, #tpu.memory_space<semaphore_mem>>
      %dma_start3A_226 = tpu.memref_slice %arg3[%mul3A_2] : memref<160000xi32, #tpu.memory_space<hbm>> -> memref<10000xi32, #tpu.memory_space<hbm>>
      %dma_start3A_227 = tpu.memref_slice %arg3[%mul3A_2] : memref<160000xi32, #tpu.memory_space<hbm>> -> memref<10000xi32, #tpu.memory_space<hbm>>
      tpu.enqueue_dma source(%dma_start3A_227 : memref<10000xi32, #tpu.memory_space<hbm>>) target(%arg6 : memref<10000xi32, #tpu.memory_space<vmem>>) target_semaphore(%run_scoped3A : memref<!tpu.dma_semaphore, #tpu.memory_space<semaphore_mem>>)
      %dma_wait3A_228 = tpu.memref_slice %arg3[%mul3A_2] : memref<160000xi32, #tpu.memory_space<hbm>> -> memref<10000xi32, #tpu.memory_space<hbm>>
      %dma_wait3A_229 = tpu.memref_slice %arg3[%mul3A_2] : memref<160000xi32, #tpu.memory_space<hbm>> -> memref<10000xi32, #tpu.memory_space<hbm>>
      tpu.wait_dma2 semaphore(%run_scoped3A : memref<!tpu.dma_semaphore, #tpu.memory_space<semaphore_mem>>) src(%dma_wait3A_229 : memref<10000xi32, #tpu.memory_space<hbm>>) dst(%arg6 : memref<10000xi32, #tpu.memory_space<vmem>>)
      tpu.yield
    }) : () -> ()
    %mul3A_3 = arith.constant 2 : i32
    %mul3A_4 = arith.muli %mul3A_3, %arg0 : i32
    %add3A = arith.constant 0 : i32
    %add3A_5 = arith.addi %mul3A_4, %add3A : i32
    %mul3A_6 = arith.constant 10000 : i32
    %mul3A_7 = arith.muli %add3A_5, %mul3A_6 : i32
    %mul3A_8 = arith.constant 625 : i32
    %mul3A_9 = arith.muli %arg1, %mul3A_8 : i32
    %add3A_10 = arith.addi %mul3A_7, %mul3A_9 : i32
    %mul3A_11 = arith.constant 625 : i32
    %mul3A_12 = arith.muli %arg1, %mul3A_11 : i32
    "tpu.region"() ({
      %run_scoped3A = tpu.sem_alloc : memref<!tpu.dma_semaphore, #tpu.memory_space<semaphore_mem>>
      %dma_start3A_226 = arith.constant 0 : i32
      %dma_start3A_227 = tpu.memref_slice %arg13[%mul3A_12, %dma_start3A_226] : memref<10000x128xf32, #tpu.memory_space<vmem_shared>> -> memref<625x128xf32, #tpu.memory_space<vmem_shared>>
      %dma_start3A_228 = arith.constant 0 : i32
      %dma_start3A_229 = tpu.memref_slice %arg2[%add3A_10, %dma_start3A_228] : memref<40000x128xf32, #tpu.memory_space<hbm>> -> memref<625x128xf32, #tpu.memory_space<hbm>>
      tpu.enqueue_dma source(%dma_start3A_229 : memref<625x128xf32, #tpu.memory_space<hbm>>) target(%dma_start3A_227 : memref<625x128xf32, #tpu.memory_space<vmem_shared>>) target_semaphore(%run_scoped3A : memref<!tpu.dma_semaphore, #tpu.memory_space<semaphore_mem>>)
      %dma_wait3A_230 = arith.constant 0 : i32
      %dma_wait3A_231 = tpu.memref_slice %arg13[%mul3A_12, %dma_wait3A_230] : memref<10000x128xf32, #tpu.memory_space<vmem_shared>> -> memref<625x128xf32, #tpu.memory_space<vmem_shared>>
      %dma_wait3A_232 = arith.constant 0 : i32
      %dma_wait3A_233 = tpu.memref_slice %arg2[%add3A_10, %dma_wait3A_232] : memref<40000x128xf32, #tpu.memory_space<hbm>> -> memref<625x128xf32, #tpu.memory_space<hbm>>
      tpu.wait_dma2 semaphore(%run_scoped3A : memref<!tpu.dma_semaphore, #tpu.memory_space<semaphore_mem>>) src(%dma_wait3A_233 : memref<625x128xf32, #tpu.memory_space<hbm>>) dst(%dma_wait3A_231 : memref<625x128xf32, #tpu.memory_space<vmem_shared>>)
      tpu.yield
    }) : () -> ()
    %barrier3A = arith.constant 0 : index
    tpu.barrier barrier_id(%barrier3A)
    %dma_start3A = arith.constant 0 : i32
    %dma_start3A_13 = tpu.memref_slice %arg6[%dma_start3A] : memref<10000xi32, #tpu.memory_space<vmem>> -> memref<80xi32, #tpu.memory_space<vmem>>
    %dma_start3A_14 = arith.constant 0 : i32
    %dma_start3A_15 = tpu.memref_slice %arg2[%mul3A_7, %dma_start3A_14] : memref<40000x128xf32, #tpu.memory_space<hbm>> -> memref<10000x128xf32, #tpu.memory_space<hbm>>
    %dma_start3A_16 = arith.constant 0 : i32
    %dma_start3A_17 = arith.constant 0 : i32
    %dma_start3A_18 = tpu.memref_slice %dma_start3A_15[%dma_start3A_16, %dma_start3A_17] : memref<10000x128xf32, #tpu.memory_space<hbm>> -> memref<10000x128xf32, #tpu.memory_space<hbm>>
    tpu.enqueue_indirect_dma source(%dma_start3A_18 : memref<10000x128xf32, #tpu.memory_space<hbm>>) target(%arg10 : memref<80x128xf32, #tpu.memory_space<vmem>>) offsets(%dma_start3A_13 : memref<80xi32, #tpu.memory_space<vmem>>) semaphore(%arg14 : memref<!tpu.dma_semaphore, #tpu.memory_space<semaphore_mem>>)
    %add3A_19 = arith.constant 0 : i32
    %add3A_20 = arith.addi %mul3A_0, %add3A_19 : i32
    %mul3A_21 = arith.constant 80 : i32
    %mul3A_22 = arith.muli %add3A_20, %mul3A_21 : i32
    %dma_start3A_23 = tpu.memref_slice %arg4[%mul3A_22] : memref<160000xi32, #tpu.memory_space<hbm>> -> memref<80xi32, #tpu.memory_space<hbm>>
    %dma_start3A_24 = tpu.memref_slice %arg4[%mul3A_22] : memref<160000xi32, #tpu.memory_space<hbm>> -> memref<80xi32, #tpu.memory_space<hbm>>
    tpu.enqueue_dma source(%dma_start3A_24 : memref<80xi32, #tpu.memory_space<hbm>>) target(%arg7 : memref<80xi32, #tpu.memory_space<vmem>>) target_semaphore(%arg17 : memref<!tpu.dma_semaphore, #tpu.memory_space<semaphore_mem>>)
    %dma_start3A_25 = arith.constant 80 : i32
    %dma_start3A_26 = tpu.memref_slice %arg6[%dma_start3A_25] : memref<10000xi32, #tpu.memory_space<vmem>> -> memref<80xi32, #tpu.memory_space<vmem>>
    %dma_start3A_27 = arith.constant 0 : i32
    %dma_start3A_28 = tpu.memref_slice %arg2[%mul3A_7, %dma_start3A_27] : memref<40000x128xf32, #tpu.memory_space<hbm>> -> memref<10000x128xf32, #tpu.memory_space<hbm>>
    %dma_start3A_29 = arith.constant 0 : i32
    %dma_start3A_30 = arith.constant 0 : i32
    %dma_start3A_31 = tpu.memref_slice %dma_start3A_28[%dma_start3A_29, %dma_start3A_30] : memref<10000x128xf32, #tpu.memory_space<hbm>> -> memref<10000x128xf32, #tpu.memory_space<hbm>>
    tpu.enqueue_indirect_dma source(%dma_start3A_31 : memref<10000x128xf32, #tpu.memory_space<hbm>>) target(%arg11 : memref<80x128xf32, #tpu.memory_space<vmem>>) offsets(%dma_start3A_26 : memref<80xi32, #tpu.memory_space<vmem>>) semaphore(%arg15 : memref<!tpu.dma_semaphore, #tpu.memory_space<semaphore_mem>>)
    %add3A_32 = arith.constant 1 : i32
    %add3A_33 = arith.addi %mul3A_0, %add3A_32 : i32
    %mul3A_34 = arith.constant 80 : i32
    %mul3A_35 = arith.muli %add3A_33, %mul3A_34 : i32
    %dma_start3A_36 = tpu.memref_slice %arg4[%mul3A_35] : memref<160000xi32, #tpu.memory_space<hbm>> -> memref<80xi32, #tpu.memory_space<hbm>>
    %dma_start3A_37 = tpu.memref_slice %arg4[%mul3A_35] : memref<160000xi32, #tpu.memory_space<hbm>> -> memref<80xi32, #tpu.memory_space<hbm>>
    tpu.enqueue_dma source(%dma_start3A_37 : memref<80xi32, #tpu.memory_space<hbm>>) target(%arg8 : memref<80xi32, #tpu.memory_space<vmem>>) target_semaphore(%arg18 : memref<!tpu.dma_semaphore, #tpu.memory_space<semaphore_mem>>)
    %dma_start3A_38 = arith.constant 160 : i32
    %dma_start3A_39 = tpu.memref_slice %arg6[%dma_start3A_38] : memref<10000xi32, #tpu.memory_space<vmem>> -> memref<80xi32, #tpu.memory_space<vmem>>
    %dma_start3A_40 = arith.constant 0 : i32
    %dma_start3A_41 = tpu.memref_slice %arg2[%mul3A_7, %dma_start3A_40] : memref<40000x128xf32, #tpu.memory_space<hbm>> -> memref<10000x128xf32, #tpu.memory_space<hbm>>
    %dma_start3A_42 = arith.constant 0 : i32
    %dma_start3A_43 = arith.constant 0 : i32
    %dma_start3A_44 = tpu.memref_slice %dma_start3A_41[%dma_start3A_42, %dma_start3A_43] : memref<10000x128xf32, #tpu.memory_space<hbm>> -> memref<10000x128xf32, #tpu.memory_space<hbm>>
    tpu.enqueue_indirect_dma source(%dma_start3A_44 : memref<10000x128xf32, #tpu.memory_space<hbm>>) target(%arg12 : memref<80x128xf32, #tpu.memory_space<vmem>>) offsets(%dma_start3A_39 : memref<80xi32, #tpu.memory_space<vmem>>) semaphore(%arg16 : memref<!tpu.dma_semaphore, #tpu.memory_space<semaphore_mem>>)
    %add3A_45 = arith.constant 2 : i32
    %add3A_46 = arith.addi %mul3A_0, %add3A_45 : i32
    %mul3A_47 = arith.constant 80 : i32
    %mul3A_48 = arith.muli %add3A_46, %mul3A_47 : i32
    %dma_start3A_49 = tpu.memref_slice %arg4[%mul3A_48] : memref<160000xi32, #tpu.memory_space<hbm>> -> memref<80xi32, #tpu.memory_space<hbm>>
    %dma_start3A_50 = tpu.memref_slice %arg4[%mul3A_48] : memref<160000xi32, #tpu.memory_space<hbm>> -> memref<80xi32, #tpu.memory_space<hbm>>
    tpu.enqueue_dma source(%dma_start3A_50 : memref<80xi32, #tpu.memory_space<hbm>>) target(%arg9 : memref<80xi32, #tpu.memory_space<vmem>>) target_semaphore(%arg19 : memref<!tpu.dma_semaphore, #tpu.memory_space<semaphore_mem>>)
    %dma_wait3A = arith.constant 0 : i32
    %dma_wait3A_51 = arith.constant 0 : i32
    %dma_wait3A_52 = tpu.memref_slice %arg2[%dma_wait3A, %dma_wait3A_51] : memref<40000x128xf32, #tpu.memory_space<hbm>> -> memref<80x128xf32, #tpu.memory_space<hbm>>
    %dma_wait3A_53 = arith.constant 0 : i32
    %dma_wait3A_54 = arith.constant 0 : i32
    %dma_wait3A_55 = tpu.memref_slice %arg2[%dma_wait3A_53, %dma_wait3A_54] : memref<40000x128xf32, #tpu.memory_space<hbm>> -> memref<80x128xf32, #tpu.memory_space<hbm>>
    tpu.wait_dma2 semaphore(%arg14 : memref<!tpu.dma_semaphore, #tpu.memory_space<semaphore_mem>>) src(%dma_wait3A_55 : memref<80x128xf32, #tpu.memory_space<hbm>>) dst(%arg10 : memref<80x128xf32, #tpu.memory_space<vmem>>)
    %dma_wait3A_56 = arith.constant 0 : i32
    %dma_wait3A_57 = tpu.memref_slice %arg4[%dma_wait3A_56] : memref<160000xi32, #tpu.memory_space<hbm>> -> memref<80xi32, #tpu.memory_space<hbm>>
    %dma_wait3A_58 = arith.constant 0 : i32
    %dma_wait3A_59 = tpu.memref_slice %arg4[%dma_wait3A_58] : memref<160000xi32, #tpu.memory_space<hbm>> -> memref<80xi32, #tpu.memory_space<hbm>>
    tpu.wait_dma2 semaphore(%arg17 : memref<!tpu.dma_semaphore, #tpu.memory_space<semaphore_mem>>) src(%dma_wait3A_59 : memref<80xi32, #tpu.memory_space<hbm>>) dst(%arg7 : memref<80xi32, #tpu.memory_space<vmem>>)
    %dma_start3A_60 = arith.constant 0 : i32
    %dma_start3A_61 = arith.constant 0 : i32
    %dma_start3A_62 = tpu.memref_slice %arg13[%dma_start3A_60, %dma_start3A_61] : memref<10000x128xf32, #tpu.memory_space<vmem_shared>> -> memref<10000x128xf32, #tpu.memory_space<vmem_shared>>
    tpu.enqueue_indirect_dma source(%arg10 : memref<80x128xf32, #tpu.memory_space<vmem>>) target(%dma_start3A_62 : memref<10000x128xf32, #tpu.memory_space<vmem_shared>>) offsets(%arg7 : memref<80xi32, #tpu.memory_space<vmem>>) semaphore(%arg20 : memref<!tpu.dma_semaphore, #tpu.memory_space<semaphore_mem>>) {add = true}
    %dma_wait3A_63 = arith.constant 0 : i32
    %dma_wait3A_64 = arith.constant 0 : i32
    %dma_wait3A_65 = tpu.memref_slice %arg2[%dma_wait3A_63, %dma_wait3A_64] : memref<40000x128xf32, #tpu.memory_space<hbm>> -> memref<80x128xf32, #tpu.memory_space<hbm>>
    %dma_wait3A_66 = arith.constant 0 : i32
    %dma_wait3A_67 = arith.constant 0 : i32
    %dma_wait3A_68 = tpu.memref_slice %arg2[%dma_wait3A_66, %dma_wait3A_67] : memref<40000x128xf32, #tpu.memory_space<hbm>> -> memref<80x128xf32, #tpu.memory_space<hbm>>
    tpu.wait_dma2 semaphore(%arg20 : memref<!tpu.dma_semaphore, #tpu.memory_space<semaphore_mem>>) src(%dma_wait3A_68 : memref<80x128xf32, #tpu.memory_space<hbm>>) dst(%arg10 : memref<80x128xf32, #tpu.memory_space<vmem>>)
    %dma_start3A_69 = arith.constant 240 : i32
    %dma_start3A_70 = tpu.memref_slice %arg6[%dma_start3A_69] : memref<10000xi32, #tpu.memory_space<vmem>> -> memref<80xi32, #tpu.memory_space<vmem>>
    %dma_start3A_71 = arith.constant 0 : i32
    %dma_start3A_72 = tpu.memref_slice %arg2[%mul3A_7, %dma_start3A_71] : memref<40000x128xf32, #tpu.memory_space<hbm>> -> memref<10000x128xf32, #tpu.memory_space<hbm>>
    %dma_start3A_73 = arith.constant 0 : i32
    %dma_start3A_74 = arith.constant 0 : i32
    %dma_start3A_75 = tpu.memref_slice %dma_start3A_72[%dma_start3A_73, %dma_start3A_74] : memref<10000x128xf32, #tpu.memory_space<hbm>> -> memref<10000x128xf32, #tpu.memory_space<hbm>>
    tpu.enqueue_indirect_dma source(%dma_start3A_75 : memref<10000x128xf32, #tpu.memory_space<hbm>>) target(%arg10 : memref<80x128xf32, #tpu.memory_space<vmem>>) offsets(%dma_start3A_70 : memref<80xi32, #tpu.memory_space<vmem>>) semaphore(%arg14 : memref<!tpu.dma_semaphore, #tpu.memory_space<semaphore_mem>>)
    %add3A_76 = arith.constant 3 : i32
    %add3A_77 = arith.addi %mul3A_0, %add3A_76 : i32
    %mul3A_78 = arith.constant 80 : i32
    %mul3A_79 = arith.muli %add3A_77, %mul3A_78 : i32
    %dma_start3A_80 = tpu.memref_slice %arg4[%mul3A_79] : memref<160000xi32, #tpu.memory_space<hbm>> -> memref<80xi32, #tpu.memory_space<hbm>>
    %dma_start3A_81 = tpu.memref_slice %arg4[%mul3A_79] : memref<160000xi32, #tpu.memory_space<hbm>> -> memref<80xi32, #tpu.memory_space<hbm>>
    tpu.enqueue_dma source(%dma_start3A_81 : memref<80xi32, #tpu.memory_space<hbm>>) target(%arg7 : memref<80xi32, #tpu.memory_space<vmem>>) target_semaphore(%arg17 : memref<!tpu.dma_semaphore, #tpu.memory_space<semaphore_mem>>)
    %dma_wait3A_82 = arith.constant 0 : i32
    %dma_wait3A_83 = arith.constant 0 : i32
    %dma_wait3A_84 = tpu.memref_slice %arg2[%dma_wait3A_82, %dma_wait3A_83] : memref<40000x128xf32, #tpu.memory_space<hbm>> -> memref<80x128xf32, #tpu.memory_space<hbm>>
    %dma_wait3A_85 = arith.constant 0 : i32
    %dma_wait3A_86 = arith.constant 0 : i32
    %dma_wait3A_87 = tpu.memref_slice %arg2[%dma_wait3A_85, %dma_wait3A_86] : memref<40000x128xf32, #tpu.memory_space<hbm>> -> memref<80x128xf32, #tpu.memory_space<hbm>>
    tpu.wait_dma2 semaphore(%arg15 : memref<!tpu.dma_semaphore, #tpu.memory_space<semaphore_mem>>) src(%dma_wait3A_87 : memref<80x128xf32, #tpu.memory_space<hbm>>) dst(%arg11 : memref<80x128xf32, #tpu.memory_space<vmem>>)
    %dma_wait3A_88 = arith.constant 0 : i32
    %dma_wait3A_89 = tpu.memref_slice %arg4[%dma_wait3A_88] : memref<160000xi32, #tpu.memory_space<hbm>> -> memref<80xi32, #tpu.memory_space<hbm>>
    %dma_wait3A_90 = arith.constant 0 : i32
    %dma_wait3A_91 = tpu.memref_slice %arg4[%dma_wait3A_90] : memref<160000xi32, #tpu.memory_space<hbm>> -> memref<80xi32, #tpu.memory_space<hbm>>
    tpu.wait_dma2 semaphore(%arg18 : memref<!tpu.dma_semaphore, #tpu.memory_space<semaphore_mem>>) src(%dma_wait3A_91 : memref<80xi32, #tpu.memory_space<hbm>>) dst(%arg8 : memref<80xi32, #tpu.memory_space<vmem>>)
    %dma_start3A_92 = arith.constant 0 : i32
    %dma_start3A_93 = arith.constant 0 : i32
    %dma_start3A_94 = tpu.memref_slice %arg13[%dma_start3A_92, %dma_start3A_93] : memref<10000x128xf32, #tpu.memory_space<vmem_shared>> -> memref<10000x128xf32, #tpu.memory_space<vmem_shared>>
    tpu.enqueue_indirect_dma source(%arg11 : memref<80x128xf32, #tpu.memory_space<vmem>>) target(%dma_start3A_94 : memref<10000x128xf32, #tpu.memory_space<vmem_shared>>) offsets(%arg8 : memref<80xi32, #tpu.memory_space<vmem>>) semaphore(%arg21 : memref<!tpu.dma_semaphore, #tpu.memory_space<semaphore_mem>>) {add = true}
    %scan3A = arith.constant 0 : i32
    %scan3A_95 = arith.constant 0 : i32
    %scan3A_96 = arith.constant 41 : i32
    %scan3A_97 = arith.addi %scan3A_95, %scan3A_96 : i32
    %scan3A_98 = arith.constant 1 : i32
    scf.for %scan3A_226 = %scan3A_95 to %scan3A_97 step %scan3A_98  : i32 {
      %mul3A_227 = arith.constant 3 : i32
      %mul3A_228 = arith.muli %mul3A_227, %scan3A_226 : i32
      %add3A_229 = arith.constant 2 : i32
      %add3A_230 = arith.addi %add3A_229, %mul3A_228 : i32
      %add3A_231 = arith.constant 0 : i32
      %add3A_232 = arith.addi %add3A_230, %add3A_231 : i32
      %dma_wait3A_233 = arith.constant 0 : i32
      %dma_wait3A_234 = arith.constant 0 : i32
      %dma_wait3A_235 = tpu.memref_slice %arg2[%dma_wait3A_233, %dma_wait3A_234] : memref<40000x128xf32, #tpu.memory_space<hbm>> -> memref<80x128xf32, #tpu.memory_space<hbm>>
      %dma_wait3A_236 = arith.constant 0 : i32
      %dma_wait3A_237 = arith.constant 0 : i32
      %dma_wait3A_238 = tpu.memref_slice %arg2[%dma_wait3A_236, %dma_wait3A_237] : memref<40000x128xf32, #tpu.memory_space<hbm>> -> memref<80x128xf32, #tpu.memory_space<hbm>>
      tpu.wait_dma2 semaphore(%arg21 : memref<!tpu.dma_semaphore, #tpu.memory_space<semaphore_mem>>) src(%dma_wait3A_238 : memref<80x128xf32, #tpu.memory_space<hbm>>) dst(%arg11 : memref<80x128xf32, #tpu.memory_space<vmem>>)
      %add3A_239 = arith.constant 2 : i32
      %add3A_240 = arith.addi %add3A_232, %add3A_239 : i32
      %lt3A = arith.constant 125 : i32
      %lt3A_241 = arith.cmpi slt, %add3A_240, %lt3A : i32
      %convert_element_type3A = arith.extui %lt3A_241 : i1 to i32
      %cond3A = arith.constant 0 : i32
      %cond3A_242 = arith.cmpi ne, %convert_element_type3A, %cond3A : i32
      scf.if %cond3A_242 {
        %add3A_312 = arith.constant 2 : i32
        %add3A_313 = arith.addi %add3A_232, %add3A_312 : i32
        %mul3A_314 = arith.constant 80 : i32
        %mul3A_315 = arith.muli %add3A_313, %mul3A_314 : i32
        %dma_start3A_316 = tpu.memref_slice %arg6[%mul3A_315] : memref<10000xi32, #tpu.memory_space<vmem>> -> memref<80xi32, #tpu.memory_space<vmem>>
        %dma_start3A_317 = arith.constant 0 : i32
        %dma_start3A_318 = tpu.memref_slice %arg2[%mul3A_7, %dma_start3A_317] : memref<40000x128xf32, #tpu.memory_space<hbm>> -> memref<10000x128xf32, #tpu.memory_space<hbm>>
        %dma_start3A_319 = arith.constant 0 : i32
        %dma_start3A_320 = arith.constant 0 : i32
        %dma_start3A_321 = tpu.memref_slice %dma_start3A_318[%dma_start3A_319, %dma_start3A_320] : memref<10000x128xf32, #tpu.memory_space<hbm>> -> memref<10000x128xf32, #tpu.memory_space<hbm>>
        tpu.enqueue_indirect_dma source(%dma_start3A_321 : memref<10000x128xf32, #tpu.memory_space<hbm>>) target(%arg11 : memref<80x128xf32, #tpu.memory_space<vmem>>) offsets(%dma_start3A_316 : memref<80xi32, #tpu.memory_space<vmem>>) semaphore(%arg15 : memref<!tpu.dma_semaphore, #tpu.memory_space<semaphore_mem>>)
        %add3A_322 = arith.constant 2 : i32
        %add3A_323 = arith.addi %add3A_232, %add3A_322 : i32
        %add3A_324 = arith.addi %mul3A_0, %add3A_323 : i32
        %mul3A_325 = arith.constant 80 : i32
        %mul3A_326 = arith.muli %add3A_324, %mul3A_325 : i32
        %dma_start3A_327 = tpu.memref_slice %arg4[%mul3A_326] : memref<160000xi32, #tpu.memory_space<hbm>> -> memref<80xi32, #tpu.memory_space<hbm>>
        %dma_start3A_328 = tpu.memref_slice %arg4[%mul3A_326] : memref<160000xi32, #tpu.memory_space<hbm>> -> memref<80xi32, #tpu.memory_space<hbm>>
        tpu.enqueue_dma source(%dma_start3A_328 : memref<80xi32, #tpu.memory_space<hbm>>) target(%arg8 : memref<80xi32, #tpu.memory_space<vmem>>) target_semaphore(%arg18 : memref<!tpu.dma_semaphore, #tpu.memory_space<semaphore_mem>>)
      } else {
      }
      %dma_wait3A_243 = arith.constant 0 : i32
      %dma_wait3A_244 = arith.constant 0 : i32
      %dma_wait3A_245 = tpu.memref_slice %arg2[%dma_wait3A_243, %dma_wait3A_244] : memref<40000x128xf32, #tpu.memory_space<hbm>> -> memref<80x128xf32, #tpu.memory_space<hbm>>
      %dma_wait3A_246 = arith.constant 0 : i32
      %dma_wait3A_247 = arith.constant 0 : i32
      %dma_wait3A_248 = tpu.memref_slice %arg2[%dma_wait3A_246, %dma_wait3A_247] : memref<40000x128xf32, #tpu.memory_space<hbm>> -> memref<80x128xf32, #tpu.memory_space<hbm>>
      tpu.wait_dma2 semaphore(%arg16 : memref<!tpu.dma_semaphore, #tpu.memory_space<semaphore_mem>>) src(%dma_wait3A_248 : memref<80x128xf32, #tpu.memory_space<hbm>>) dst(%arg12 : memref<80x128xf32, #tpu.memory_space<vmem>>)
      %dma_wait3A_249 = arith.constant 0 : i32
      %dma_wait3A_250 = tpu.memref_slice %arg4[%dma_wait3A_249] : memref<160000xi32, #tpu.memory_space<hbm>> -> memref<80xi32, #tpu.memory_space<hbm>>
      %dma_wait3A_251 = arith.constant 0 : i32
      %dma_wait3A_252 = tpu.memref_slice %arg4[%dma_wait3A_251] : memref<160000xi32, #tpu.memory_space<hbm>> -> memref<80xi32, #tpu.memory_space<hbm>>
      tpu.wait_dma2 semaphore(%arg19 : memref<!tpu.dma_semaphore, #tpu.memory_space<semaphore_mem>>) src(%dma_wait3A_252 : memref<80xi32, #tpu.memory_space<hbm>>) dst(%arg9 : memref<80xi32, #tpu.memory_space<vmem>>)
      %dma_start3A_253 = arith.constant 0 : i32
      %dma_start3A_254 = arith.constant 0 : i32
      %dma_start3A_255 = tpu.memref_slice %arg13[%dma_start3A_253, %dma_start3A_254] : memref<10000x128xf32, #tpu.memory_space<vmem_shared>> -> memref<10000x128xf32, #tpu.memory_space<vmem_shared>>
      tpu.enqueue_indirect_dma source(%arg12 : memref<80x128xf32, #tpu.memory_space<vmem>>) target(%dma_start3A_255 : memref<10000x128xf32, #tpu.memory_space<vmem_shared>>) offsets(%arg9 : memref<80xi32, #tpu.memory_space<vmem>>) semaphore(%arg22 : memref<!tpu.dma_semaphore, #tpu.memory_space<semaphore_mem>>) {add = true}
      %add3A_256 = arith.constant 1 : i32
      %add3A_257 = arith.addi %add3A_230, %add3A_256 : i32
      %dma_wait3A_258 = arith.constant 0 : i32
      %dma_wait3A_259 = arith.constant 0 : i32
      %dma_wait3A_260 = tpu.memref_slice %arg2[%dma_wait3A_258, %dma_wait3A_259] : memref<40000x128xf32, #tpu.memory_space<hbm>> -> memref<80x128xf32, #tpu.memory_space<hbm>>
      %dma_wait3A_261 = arith.constant 0 : i32
      %dma_wait3A_262 = arith.constant 0 : i32
      %dma_wait3A_263 = tpu.memref_slice %arg2[%dma_wait3A_261, %dma_wait3A_262] : memref<40000x128xf32, #tpu.memory_space<hbm>> -> memref<80x128xf32, #tpu.memory_space<hbm>>
      tpu.wait_dma2 semaphore(%arg22 : memref<!tpu.dma_semaphore, #tpu.memory_space<semaphore_mem>>) src(%dma_wait3A_263 : memref<80x128xf32, #tpu.memory_space<hbm>>) dst(%arg12 : memref<80x128xf32, #tpu.memory_space<vmem>>)
      %add3A_264 = arith.constant 2 : i32
      %add3A_265 = arith.addi %add3A_257, %add3A_264 : i32
      %lt3A_266 = arith.constant 125 : i32
      %lt3A_267 = arith.cmpi slt, %add3A_265, %lt3A_266 : i32
      %convert_element_type3A_268 = arith.extui %lt3A_267 : i1 to i32
      %cond3A_269 = arith.constant 0 : i32
      %cond3A_270 = arith.cmpi ne, %convert_element_type3A_268, %cond3A_269 : i32
      scf.if %cond3A_270 {
        %add3A_312 = arith.constant 2 : i32
        %add3A_313 = arith.addi %add3A_257, %add3A_312 : i32
        %mul3A_314 = arith.constant 80 : i32
        %mul3A_315 = arith.muli %add3A_313, %mul3A_314 : i32
        %dma_start3A_316 = tpu.memref_slice %arg6[%mul3A_315] : memref<10000xi32, #tpu.memory_space<vmem>> -> memref<80xi32, #tpu.memory_space<vmem>>
        %dma_start3A_317 = arith.constant 0 : i32
        %dma_start3A_318 = tpu.memref_slice %arg2[%mul3A_7, %dma_start3A_317] : memref<40000x128xf32, #tpu.memory_space<hbm>> -> memref<10000x128xf32, #tpu.memory_space<hbm>>
        %dma_start3A_319 = arith.constant 0 : i32
        %dma_start3A_320 = arith.constant 0 : i32
        %dma_start3A_321 = tpu.memref_slice %dma_start3A_318[%dma_start3A_319, %dma_start3A_320] : memref<10000x128xf32, #tpu.memory_space<hbm>> -> memref<10000x128xf32, #tpu.memory_space<hbm>>
        tpu.enqueue_indirect_dma source(%dma_start3A_321 : memref<10000x128xf32, #tpu.memory_space<hbm>>) target(%arg12 : memref<80x128xf32, #tpu.memory_space<vmem>>) offsets(%dma_start3A_316 : memref<80xi32, #tpu.memory_space<vmem>>) semaphore(%arg16 : memref<!tpu.dma_semaphore, #tpu.memory_space<semaphore_mem>>)
        %add3A_322 = arith.constant 2 : i32
        %add3A_323 = arith.addi %add3A_257, %add3A_322 : i32
        %add3A_324 = arith.addi %mul3A_0, %add3A_323 : i32
        %mul3A_325 = arith.constant 80 : i32
        %mul3A_326 = arith.muli %add3A_324, %mul3A_325 : i32
        %dma_start3A_327 = tpu.memref_slice %arg4[%mul3A_326] : memref<160000xi32, #tpu.memory_space<hbm>> -> memref<80xi32, #tpu.memory_space<hbm>>
        %dma_start3A_328 = tpu.memref_slice %arg4[%mul3A_326] : memref<160000xi32, #tpu.memory_space<hbm>> -> memref<80xi32, #tpu.memory_space<hbm>>
        tpu.enqueue_dma source(%dma_start3A_328 : memref<80xi32, #tpu.memory_space<hbm>>) target(%arg9 : memref<80xi32, #tpu.memory_space<vmem>>) target_semaphore(%arg19 : memref<!tpu.dma_semaphore, #tpu.memory_space<semaphore_mem>>)
      } else {
      }
      %dma_wait3A_271 = arith.constant 0 : i32
      %dma_wait3A_272 = arith.constant 0 : i32
      %dma_wait3A_273 = tpu.memref_slice %arg2[%dma_wait3A_271, %dma_wait3A_272] : memref<40000x128xf32, #tpu.memory_space<hbm>> -> memref<80x128xf32, #tpu.memory_space<hbm>>
      %dma_wait3A_274 = arith.constant 0 : i32
      %dma_wait3A_275 = arith.constant 0 : i32
      %dma_wait3A_276 = tpu.memref_slice %arg2[%dma_wait3A_274, %dma_wait3A_275] : memref<40000x128xf32, #tpu.memory_space<hbm>> -> memref<80x128xf32, #tpu.memory_space<hbm>>
      tpu.wait_dma2 semaphore(%arg14 : memref<!tpu.dma_semaphore, #tpu.memory_space<semaphore_mem>>) src(%dma_wait3A_276 : memref<80x128xf32, #tpu.memory_space<hbm>>) dst(%arg10 : memref<80x128xf32, #tpu.memory_space<vmem>>)
      %dma_wait3A_277 = arith.constant 0 : i32
      %dma_wait3A_278 = tpu.memref_slice %arg4[%dma_wait3A_277] : memref<160000xi32, #tpu.memory_space<hbm>> -> memref<80xi32, #tpu.memory_space<hbm>>
      %dma_wait3A_279 = arith.constant 0 : i32
      %dma_wait3A_280 = tpu.memref_slice %arg4[%dma_wait3A_279] : memref<160000xi32, #tpu.memory_space<hbm>> -> memref<80xi32, #tpu.memory_space<hbm>>
      tpu.wait_dma2 semaphore(%arg17 : memref<!tpu.dma_semaphore, #tpu.memory_space<semaphore_mem>>) src(%dma_wait3A_280 : memref<80xi32, #tpu.memory_space<hbm>>) dst(%arg7 : memref<80xi32, #tpu.memory_space<vmem>>)
      %dma_start3A_281 = arith.constant 0 : i32
      %dma_start3A_282 = arith.constant 0 : i32
      %dma_start3A_283 = tpu.memref_slice %arg13[%dma_start3A_281, %dma_start3A_282] : memref<10000x128xf32, #tpu.memory_space<vmem_shared>> -> memref<10000x128xf32, #tpu.memory_space<vmem_shared>>
      tpu.enqueue_indirect_dma source(%arg10 : memref<80x128xf32, #tpu.memory_space<vmem>>) target(%dma_start3A_283 : memref<10000x128xf32, #tpu.memory_space<vmem_shared>>) offsets(%arg7 : memref<80xi32, #tpu.memory_space<vmem>>) semaphore(%arg20 : memref<!tpu.dma_semaphore, #tpu.memory_space<semaphore_mem>>) {add = true}
      %add3A_284 = arith.constant 2 : i32
      %add3A_285 = arith.addi %add3A_230, %add3A_284 : i32
      %dma_wait3A_286 = arith.constant 0 : i32
      %dma_wait3A_287 = arith.constant 0 : i32
      %dma_wait3A_288 = tpu.memref_slice %arg2[%dma_wait3A_286, %dma_wait3A_287] : memref<40000x128xf32, #tpu.memory_space<hbm>> -> memref<80x128xf32, #tpu.memory_space<hbm>>
      %dma_wait3A_289 = arith.constant 0 : i32
      %dma_wait3A_290 = arith.constant 0 : i32
      %dma_wait3A_291 = tpu.memref_slice %arg2[%dma_wait3A_289, %dma_wait3A_290] : memref<40000x128xf32, #tpu.memory_space<hbm>> -> memref<80x128xf32, #tpu.memory_space<hbm>>
      tpu.wait_dma2 semaphore(%arg20 : memref<!tpu.dma_semaphore, #tpu.memory_space<semaphore_mem>>) src(%dma_wait3A_291 : memref<80x128xf32, #tpu.memory_space<hbm>>) dst(%arg10 : memref<80x128xf32, #tpu.memory_space<vmem>>)
      %add3A_292 = arith.constant 2 : i32
      %add3A_293 = arith.addi %add3A_285, %add3A_292 : i32
      %lt3A_294 = arith.constant 125 : i32
      %lt3A_295 = arith.cmpi slt, %add3A_293, %lt3A_294 : i32
      %convert_element_type3A_296 = arith.extui %lt3A_295 : i1 to i32
      %cond3A_297 = arith.constant 0 : i32
      %cond3A_298 = arith.cmpi ne, %convert_element_type3A_296, %cond3A_297 : i32
      scf.if %cond3A_298 {
        %add3A_312 = arith.constant 2 : i32
        %add3A_313 = arith.addi %add3A_285, %add3A_312 : i32
        %mul3A_314 = arith.constant 80 : i32
        %mul3A_315 = arith.muli %add3A_313, %mul3A_314 : i32
        %dma_start3A_316 = tpu.memref_slice %arg6[%mul3A_315] : memref<10000xi32, #tpu.memory_space<vmem>> -> memref<80xi32, #tpu.memory_space<vmem>>
        %dma_start3A_317 = arith.constant 0 : i32
        %dma_start3A_318 = tpu.memref_slice %arg2[%mul3A_7, %dma_start3A_317] : memref<40000x128xf32, #tpu.memory_space<hbm>> -> memref<10000x128xf32, #tpu.memory_space<hbm>>
        %dma_start3A_319 = arith.constant 0 : i32
        %dma_start3A_320 = arith.constant 0 : i32
        %dma_start3A_321 = tpu.memref_slice %dma_start3A_318[%dma_start3A_319, %dma_start3A_320] : memref<10000x128xf32, #tpu.memory_space<hbm>> -> memref<10000x128xf32, #tpu.memory_space<hbm>>
        tpu.enqueue_indirect_dma source(%dma_start3A_321 : memref<10000x128xf32, #tpu.memory_space<hbm>>) target(%arg10 : memref<80x128xf32, #tpu.memory_space<vmem>>) offsets(%dma_start3A_316 : memref<80xi32, #tpu.memory_space<vmem>>) semaphore(%arg14 : memref<!tpu.dma_semaphore, #tpu.memory_space<semaphore_mem>>)
        %add3A_322 = arith.constant 2 : i32
        %add3A_323 = arith.addi %add3A_285, %add3A_322 : i32
        %add3A_324 = arith.addi %mul3A_0, %add3A_323 : i32
        %mul3A_325 = arith.constant 80 : i32
        %mul3A_326 = arith.muli %add3A_324, %mul3A_325 : i32
        %dma_start3A_327 = tpu.memref_slice %arg4[%mul3A_326] : memref<160000xi32, #tpu.memory_space<hbm>> -> memref<80xi32, #tpu.memory_space<hbm>>
        %dma_start3A_328 = tpu.memref_slice %arg4[%mul3A_326] : memref<160000xi32, #tpu.memory_space<hbm>> -> memref<80xi32, #tpu.memory_space<hbm>>
        tpu.enqueue_dma source(%dma_start3A_328 : memref<80xi32, #tpu.memory_space<hbm>>) target(%arg7 : memref<80xi32, #tpu.memory_space<vmem>>) target_semaphore(%arg17 : memref<!tpu.dma_semaphore, #tpu.memory_space<semaphore_mem>>)
      } else {
      }
      %dma_wait3A_299 = arith.constant 0 : i32
      %dma_wait3A_300 = arith.constant 0 : i32
      %dma_wait3A_301 = tpu.memref_slice %arg2[%dma_wait3A_299, %dma_wait3A_300] : memref<40000x128xf32, #tpu.memory_space<hbm>> -> memref<80x128xf32, #tpu.memory_space<hbm>>
      %dma_wait3A_302 = arith.constant 0 : i32
      %dma_wait3A_303 = arith.constant 0 : i32
      %dma_wait3A_304 = tpu.memref_slice %arg2[%dma_wait3A_302, %dma_wait3A_303] : memref<40000x128xf32, #tpu.memory_space<hbm>> -> memref<80x128xf32, #tpu.memory_space<hbm>>
      tpu.wait_dma2 semaphore(%arg15 : memref<!tpu.dma_semaphore, #tpu.memory_space<semaphore_mem>>) src(%dma_wait3A_304 : memref<80x128xf32, #tpu.memory_space<hbm>>) dst(%arg11 : memref<80x128xf32, #tpu.memory_space<vmem>>)
      %dma_wait3A_305 = arith.constant 0 : i32
      %dma_wait3A_306 = tpu.memref_slice %arg4[%dma_wait3A_305] : memref<160000xi32, #tpu.memory_space<hbm>> -> memref<80xi32, #tpu.memory_space<hbm>>
      %dma_wait3A_307 = arith.constant 0 : i32
      %dma_wait3A_308 = tpu.memref_slice %arg4[%dma_wait3A_307] : memref<160000xi32, #tpu.memory_space<hbm>> -> memref<80xi32, #tpu.memory_space<hbm>>
      tpu.wait_dma2 semaphore(%arg18 : memref<!tpu.dma_semaphore, #tpu.memory_space<semaphore_mem>>) src(%dma_wait3A_308 : memref<80xi32, #tpu.memory_space<hbm>>) dst(%arg8 : memref<80xi32, #tpu.memory_space<vmem>>)
      %dma_start3A_309 = arith.constant 0 : i32
      %dma_start3A_310 = arith.constant 0 : i32
      %dma_start3A_311 = tpu.memref_slice %arg13[%dma_start3A_309, %dma_start3A_310] : memref<10000x128xf32, #tpu.memory_space<vmem_shared>> -> memref<10000x128xf32, #tpu.memory_space<vmem_shared>>
      tpu.enqueue_indirect_dma source(%arg11 : memref<80x128xf32, #tpu.memory_space<vmem>>) target(%dma_start3A_311 : memref<10000x128xf32, #tpu.memory_space<vmem_shared>>) offsets(%arg8 : memref<80xi32, #tpu.memory_space<vmem>>) semaphore(%arg21 : memref<!tpu.dma_semaphore, #tpu.memory_space<semaphore_mem>>) {add = true}
    }
    %scan3A_99 = arith.constant 41 : i32
    %dma_wait3A_100 = arith.constant 0 : i32
    %dma_wait3A_101 = arith.constant 0 : i32
    %dma_wait3A_102 = tpu.memref_slice %arg2[%dma_wait3A_100, %dma_wait3A_101] : memref<40000x128xf32, #tpu.memory_space<hbm>> -> memref<80x128xf32, #tpu.memory_space<hbm>>
    %dma_wait3A_103 = arith.constant 0 : i32
    %dma_wait3A_104 = arith.constant 0 : i32
    %dma_wait3A_105 = tpu.memref_slice %arg2[%dma_wait3A_103, %dma_wait3A_104] : memref<40000x128xf32, #tpu.memory_space<hbm>> -> memref<80x128xf32, #tpu.memory_space<hbm>>
    tpu.wait_dma2 semaphore(%arg21 : memref<!tpu.dma_semaphore, #tpu.memory_space<semaphore_mem>>) src(%dma_wait3A_105 : memref<80x128xf32, #tpu.memory_space<hbm>>) dst(%arg11 : memref<80x128xf32, #tpu.memory_space<vmem>>)
    %barrier3A_106 = arith.constant 0 : index
    tpu.barrier barrier_id(%barrier3A_106)
    %mul3A_107 = arith.constant 625 : i32
    %mul3A_108 = arith.muli %arg1, %mul3A_107 : i32
    %mul3A_109 = arith.constant 625 : i32
    %mul3A_110 = arith.muli %arg1, %mul3A_109 : i32
    %add3A_111 = arith.addi %mul3A_7, %mul3A_110 : i32
    "tpu.region"() ({
      %run_scoped3A = tpu.sem_alloc : memref<!tpu.dma_semaphore, #tpu.memory_space<semaphore_mem>>
      %dma_start3A_226 = arith.constant 0 : i32
      %dma_start3A_227 = tpu.memref_slice %arg5[%add3A_111, %dma_start3A_226] : memref<40000x128xf32, #tpu.memory_space<hbm>> -> memref<625x128xf32, #tpu.memory_space<hbm>>
      %dma_start3A_228 = arith.constant 0 : i32
      %dma_start3A_229 = tpu.memref_slice %arg13[%mul3A_108, %dma_start3A_228] : memref<10000x128xf32, #tpu.memory_space<vmem_shared>> -> memref<625x128xf32, #tpu.memory_space<vmem_shared>>
      tpu.enqueue_dma source(%dma_start3A_229 : memref<625x128xf32, #tpu.memory_space<vmem_shared>>) target(%dma_start3A_227 : memref<625x128xf32, #tpu.memory_space<hbm>>) target_semaphore(%run_scoped3A : memref<!tpu.dma_semaphore, #tpu.memory_space<semaphore_mem>>)
      %dma_wait3A_230 = arith.constant 0 : i32
      %dma_wait3A_231 = tpu.memref_slice %arg5[%add3A_111, %dma_wait3A_230] : memref<40000x128xf32, #tpu.memory_space<hbm>> -> memref<625x128xf32, #tpu.memory_space<hbm>>
      %dma_wait3A_232 = arith.constant 0 : i32
      %dma_wait3A_233 = tpu.memref_slice %arg13[%mul3A_108, %dma_wait3A_232] : memref<10000x128xf32, #tpu.memory_space<vmem_shared>> -> memref<625x128xf32, #tpu.memory_space<vmem_shared>>
      tpu.wait_dma2 semaphore(%run_scoped3A : memref<!tpu.dma_semaphore, #tpu.memory_space<semaphore_mem>>) src(%dma_wait3A_233 : memref<625x128xf32, #tpu.memory_space<vmem_shared>>) dst(%dma_wait3A_231 : memref<625x128xf32, #tpu.memory_space<hbm>>)
      tpu.yield
    }) : () -> ()
    %mul3A_112 = arith.constant 2 : i32
    %mul3A_113 = arith.muli %mul3A_112, %arg0 : i32
    %add3A_114 = arith.constant 1 : i32
    %add3A_115 = arith.addi %mul3A_113, %add3A_114 : i32
    %mul3A_116 = arith.constant 10000 : i32
    %mul3A_117 = arith.muli %add3A_115, %mul3A_116 : i32
    %mul3A_118 = arith.constant 625 : i32
    %mul3A_119 = arith.muli %arg1, %mul3A_118 : i32
    %add3A_120 = arith.addi %mul3A_117, %mul3A_119 : i32
    %mul3A_121 = arith.constant 625 : i32
    %mul3A_122 = arith.muli %arg1, %mul3A_121 : i32
    "tpu.region"() ({
      %run_scoped3A = tpu.sem_alloc : memref<!tpu.dma_semaphore, #tpu.memory_space<semaphore_mem>>
      %dma_start3A_226 = arith.constant 0 : i32
      %dma_start3A_227 = tpu.memref_slice %arg13[%mul3A_122, %dma_start3A_226] : memref<10000x128xf32, #tpu.memory_space<vmem_shared>> -> memref<625x128xf32, #tpu.memory_space<vmem_shared>>
      %dma_start3A_228 = arith.constant 0 : i32
      %dma_start3A_229 = tpu.memref_slice %arg2[%add3A_120, %dma_start3A_228] : memref<40000x128xf32, #tpu.memory_space<hbm>> -> memref<625x128xf32, #tpu.memory_space<hbm>>
      tpu.enqueue_dma source(%dma_start3A_229 : memref<625x128xf32, #tpu.memory_space<hbm>>) target(%dma_start3A_227 : memref<625x128xf32, #tpu.memory_space<vmem_shared>>) target_semaphore(%run_scoped3A : memref<!tpu.dma_semaphore, #tpu.memory_space<semaphore_mem>>)
      %dma_wait3A_230 = arith.constant 0 : i32
      %dma_wait3A_231 = tpu.memref_slice %arg13[%mul3A_122, %dma_wait3A_230] : memref<10000x128xf32, #tpu.memory_space<vmem_shared>> -> memref<625x128xf32, #tpu.memory_space<vmem_shared>>
      %dma_wait3A_232 = arith.constant 0 : i32
      %dma_wait3A_233 = tpu.memref_slice %arg2[%add3A_120, %dma_wait3A_232] : memref<40000x128xf32, #tpu.memory_space<hbm>> -> memref<625x128xf32, #tpu.memory_space<hbm>>
      tpu.wait_dma2 semaphore(%run_scoped3A : memref<!tpu.dma_semaphore, #tpu.memory_space<semaphore_mem>>) src(%dma_wait3A_233 : memref<625x128xf32, #tpu.memory_space<hbm>>) dst(%dma_wait3A_231 : memref<625x128xf32, #tpu.memory_space<vmem_shared>>)
      tpu.yield
    }) : () -> ()
    %barrier3A_123 = arith.constant 0 : index
    tpu.barrier barrier_id(%barrier3A_123)
    %dma_start3A_124 = arith.constant 0 : i32
    %dma_start3A_125 = tpu.memref_slice %arg6[%dma_start3A_124] : memref<10000xi32, #tpu.memory_space<vmem>> -> memref<80xi32, #tpu.memory_space<vmem>>
    %dma_start3A_126 = arith.constant 0 : i32
    %dma_start3A_127 = tpu.memref_slice %arg2[%mul3A_117, %dma_start3A_126] : memref<40000x128xf32, #tpu.memory_space<hbm>> -> memref<10000x128xf32, #tpu.memory_space<hbm>>
    %dma_start3A_128 = arith.constant 0 : i32
    %dma_start3A_129 = arith.constant 0 : i32
    %dma_start3A_130 = tpu.memref_slice %dma_start3A_127[%dma_start3A_128, %dma_start3A_129] : memref<10000x128xf32, #tpu.memory_space<hbm>> -> memref<10000x128xf32, #tpu.memory_space<hbm>>
    tpu.enqueue_indirect_dma source(%dma_start3A_130 : memref<10000x128xf32, #tpu.memory_space<hbm>>) target(%arg10 : memref<80x128xf32, #tpu.memory_space<vmem>>) offsets(%dma_start3A_125 : memref<80xi32, #tpu.memory_space<vmem>>) semaphore(%arg14 : memref<!tpu.dma_semaphore, #tpu.memory_space<semaphore_mem>>)
    %add3A_131 = arith.constant 0 : i32
    %add3A_132 = arith.addi %mul3A_0, %add3A_131 : i32
    %mul3A_133 = arith.constant 80 : i32
    %mul3A_134 = arith.muli %add3A_132, %mul3A_133 : i32
    %dma_start3A_135 = tpu.memref_slice %arg4[%mul3A_134] : memref<160000xi32, #tpu.memory_space<hbm>> -> memref<80xi32, #tpu.memory_space<hbm>>
    %dma_start3A_136 = tpu.memref_slice %arg4[%mul3A_134] : memref<160000xi32, #tpu.memory_space<hbm>> -> memref<80xi32, #tpu.memory_space<hbm>>
    tpu.enqueue_dma source(%dma_start3A_136 : memref<80xi32, #tpu.memory_space<hbm>>) target(%arg7 : memref<80xi32, #tpu.memory_space<vmem>>) target_semaphore(%arg17 : memref<!tpu.dma_semaphore, #tpu.memory_space<semaphore_mem>>)
    %dma_start3A_137 = arith.constant 80 : i32
    %dma_start3A_138 = tpu.memref_slice %arg6[%dma_start3A_137] : memref<10000xi32, #tpu.memory_space<vmem>> -> memref<80xi32, #tpu.memory_space<vmem>>
    %dma_start3A_139 = arith.constant 0 : i32
    %dma_start3A_140 = tpu.memref_slice %arg2[%mul3A_117, %dma_start3A_139] : memref<40000x128xf32, #tpu.memory_space<hbm>> -> memref<10000x128xf32, #tpu.memory_space<hbm>>
    %dma_start3A_141 = arith.constant 0 : i32
    %dma_start3A_142 = arith.constant 0 : i32
    %dma_start3A_143 = tpu.memref_slice %dma_start3A_140[%dma_start3A_141, %dma_start3A_142] : memref<10000x128xf32, #tpu.memory_space<hbm>> -> memref<10000x128xf32, #tpu.memory_space<hbm>>
    tpu.enqueue_indirect_dma source(%dma_start3A_143 : memref<10000x128xf32, #tpu.memory_space<hbm>>) target(%arg11 : memref<80x128xf32, #tpu.memory_space<vmem>>) offsets(%dma_start3A_138 : memref<80xi32, #tpu.memory_space<vmem>>) semaphore(%arg15 : memref<!tpu.dma_semaphore, #tpu.memory_space<semaphore_mem>>)
    %add3A_144 = arith.constant 1 : i32
    %add3A_145 = arith.addi %mul3A_0, %add3A_144 : i32
    %mul3A_146 = arith.constant 80 : i32
    %mul3A_147 = arith.muli %add3A_145, %mul3A_146 : i32
    %dma_start3A_148 = tpu.memref_slice %arg4[%mul3A_147] : memref<160000xi32, #tpu.memory_space<hbm>> -> memref<80xi32, #tpu.memory_space<hbm>>
    %dma_start3A_149 = tpu.memref_slice %arg4[%mul3A_147] : memref<160000xi32, #tpu.memory_space<hbm>> -> memref<80xi32, #tpu.memory_space<hbm>>
    tpu.enqueue_dma source(%dma_start3A_149 : memref<80xi32, #tpu.memory_space<hbm>>) target(%arg8 : memref<80xi32, #tpu.memory_space<vmem>>) target_semaphore(%arg18 : memref<!tpu.dma_semaphore, #tpu.memory_space<semaphore_mem>>)
    %dma_start3A_150 = arith.constant 160 : i32
    %dma_start3A_151 = tpu.memref_slice %arg6[%dma_start3A_150] : memref<10000xi32, #tpu.memory_space<vmem>> -> memref<80xi32, #tpu.memory_space<vmem>>
    %dma_start3A_152 = arith.constant 0 : i32
    %dma_start3A_153 = tpu.memref_slice %arg2[%mul3A_117, %dma_start3A_152] : memref<40000x128xf32, #tpu.memory_space<hbm>> -> memref<10000x128xf32, #tpu.memory_space<hbm>>
    %dma_start3A_154 = arith.constant 0 : i32
    %dma_start3A_155 = arith.constant 0 : i32
    %dma_start3A_156 = tpu.memref_slice %dma_start3A_153[%dma_start3A_154, %dma_start3A_155] : memref<10000x128xf32, #tpu.memory_space<hbm>> -> memref<10000x128xf32, #tpu.memory_space<hbm>>
    tpu.enqueue_indirect_dma source(%dma_start3A_156 : memref<10000x128xf32, #tpu.memory_space<hbm>>) target(%arg12 : memref<80x128xf32, #tpu.memory_space<vmem>>) offsets(%dma_start3A_151 : memref<80xi32, #tpu.memory_space<vmem>>) semaphore(%arg16 : memref<!tpu.dma_semaphore, #tpu.memory_space<semaphore_mem>>)
    %add3A_157 = arith.constant 2 : i32
    %add3A_158 = arith.addi %mul3A_0, %add3A_157 : i32
    %mul3A_159 = arith.constant 80 : i32
    %mul3A_160 = arith.muli %add3A_158, %mul3A_159 : i32
    %dma_start3A_161 = tpu.memref_slice %arg4[%mul3A_160] : memref<160000xi32, #tpu.memory_space<hbm>> -> memref<80xi32, #tpu.memory_space<hbm>>
    %dma_start3A_162 = tpu.memref_slice %arg4[%mul3A_160] : memref<160000xi32, #tpu.memory_space<hbm>> -> memref<80xi32, #tpu.memory_space<hbm>>
    tpu.enqueue_dma source(%dma_start3A_162 : memref<80xi32, #tpu.memory_space<hbm>>) target(%arg9 : memref<80xi32, #tpu.memory_space<vmem>>) target_semaphore(%arg19 : memref<!tpu.dma_semaphore, #tpu.memory_space<semaphore_mem>>)
    %dma_wait3A_163 = arith.constant 0 : i32
    %dma_wait3A_164 = arith.constant 0 : i32
    %dma_wait3A_165 = tpu.memref_slice %arg2[%dma_wait3A_163, %dma_wait3A_164] : memref<40000x128xf32, #tpu.memory_space<hbm>> -> memref<80x128xf32, #tpu.memory_space<hbm>>
    %dma_wait3A_166 = arith.constant 0 : i32
    %dma_wait3A_167 = arith.constant 0 : i32
    %dma_wait3A_168 = tpu.memref_slice %arg2[%dma_wait3A_166, %dma_wait3A_167] : memref<40000x128xf32, #tpu.memory_space<hbm>> -> memref<80x128xf32, #tpu.memory_space<hbm>>
    tpu.wait_dma2 semaphore(%arg14 : memref<!tpu.dma_semaphore, #tpu.memory_space<semaphore_mem>>) src(%dma_wait3A_168 : memref<80x128xf32, #tpu.memory_space<hbm>>) dst(%arg10 : memref<80x128xf32, #tpu.memory_space<vmem>>)
    %dma_wait3A_169 = arith.constant 0 : i32
    %dma_wait3A_170 = tpu.memref_slice %arg4[%dma_wait3A_169] : memref<160000xi32, #tpu.memory_space<hbm>> -> memref<80xi32, #tpu.memory_space<hbm>>
    %dma_wait3A_171 = arith.constant 0 : i32
    %dma_wait3A_172 = tpu.memref_slice %arg4[%dma_wait3A_171] : memref<160000xi32, #tpu.memory_space<hbm>> -> memref<80xi32, #tpu.memory_space<hbm>>
    tpu.wait_dma2 semaphore(%arg17 : memref<!tpu.dma_semaphore, #tpu.memory_space<semaphore_mem>>) src(%dma_wait3A_172 : memref<80xi32, #tpu.memory_space<hbm>>) dst(%arg7 : memref<80xi32, #tpu.memory_space<vmem>>)
    %dma_start3A_173 = arith.constant 0 : i32
    %dma_start3A_174 = arith.constant 0 : i32
    %dma_start3A_175 = tpu.memref_slice %arg13[%dma_start3A_173, %dma_start3A_174] : memref<10000x128xf32, #tpu.memory_space<vmem_shared>> -> memref<10000x128xf32, #tpu.memory_space<vmem_shared>>
    tpu.enqueue_indirect_dma source(%arg10 : memref<80x128xf32, #tpu.memory_space<vmem>>) target(%dma_start3A_175 : memref<10000x128xf32, #tpu.memory_space<vmem_shared>>) offsets(%arg7 : memref<80xi32, #tpu.memory_space<vmem>>) semaphore(%arg20 : memref<!tpu.dma_semaphore, #tpu.memory_space<semaphore_mem>>) {add = true}
    %dma_wait3A_176 = arith.constant 0 : i32
    %dma_wait3A_177 = arith.constant 0 : i32
    %dma_wait3A_178 = tpu.memref_slice %arg2[%dma_wait3A_176, %dma_wait3A_177] : memref<40000x128xf32, #tpu.memory_space<hbm>> -> memref<80x128xf32, #tpu.memory_space<hbm>>
    %dma_wait3A_179 = arith.constant 0 : i32
    %dma_wait3A_180 = arith.constant 0 : i32
    %dma_wait3A_181 = tpu.memref_slice %arg2[%dma_wait3A_179, %dma_wait3A_180] : memref<40000x128xf32, #tpu.memory_space<hbm>> -> memref<80x128xf32, #tpu.memory_space<hbm>>
    tpu.wait_dma2 semaphore(%arg20 : memref<!tpu.dma_semaphore, #tpu.memory_space<semaphore_mem>>) src(%dma_wait3A_181 : memref<80x128xf32, #tpu.memory_space<hbm>>) dst(%arg10 : memref<80x128xf32, #tpu.memory_space<vmem>>)
    %dma_start3A_182 = arith.constant 240 : i32
    %dma_start3A_183 = tpu.memref_slice %arg6[%dma_start3A_182] : memref<10000xi32, #tpu.memory_space<vmem>> -> memref<80xi32, #tpu.memory_space<vmem>>
    %dma_start3A_184 = arith.constant 0 : i32
    %dma_start3A_185 = tpu.memref_slice %arg2[%mul3A_117, %dma_start3A_184] : memref<40000x128xf32, #tpu.memory_space<hbm>> -> memref<10000x128xf32, #tpu.memory_space<hbm>>
    %dma_start3A_186 = arith.constant 0 : i32
    %dma_start3A_187 = arith.constant 0 : i32
    %dma_start3A_188 = tpu.memref_slice %dma_start3A_185[%dma_start3A_186, %dma_start3A_187] : memref<10000x128xf32, #tpu.memory_space<hbm>> -> memref<10000x128xf32, #tpu.memory_space<hbm>>
    tpu.enqueue_indirect_dma source(%dma_start3A_188 : memref<10000x128xf32, #tpu.memory_space<hbm>>) target(%arg10 : memref<80x128xf32, #tpu.memory_space<vmem>>) offsets(%dma_start3A_183 : memref<80xi32, #tpu.memory_space<vmem>>) semaphore(%arg14 : memref<!tpu.dma_semaphore, #tpu.memory_space<semaphore_mem>>)
    %add3A_189 = arith.constant 3 : i32
    %add3A_190 = arith.addi %mul3A_0, %add3A_189 : i32
    %mul3A_191 = arith.constant 80 : i32
    %mul3A_192 = arith.muli %add3A_190, %mul3A_191 : i32
    %dma_start3A_193 = tpu.memref_slice %arg4[%mul3A_192] : memref<160000xi32, #tpu.memory_space<hbm>> -> memref<80xi32, #tpu.memory_space<hbm>>
    %dma_start3A_194 = tpu.memref_slice %arg4[%mul3A_192] : memref<160000xi32, #tpu.memory_space<hbm>> -> memref<80xi32, #tpu.memory_space<hbm>>
    tpu.enqueue_dma source(%dma_start3A_194 : memref<80xi32, #tpu.memory_space<hbm>>) target(%arg7 : memref<80xi32, #tpu.memory_space<vmem>>) target_semaphore(%arg17 : memref<!tpu.dma_semaphore, #tpu.memory_space<semaphore_mem>>)
    %dma_wait3A_195 = arith.constant 0 : i32
    %dma_wait3A_196 = arith.constant 0 : i32
    %dma_wait3A_197 = tpu.memref_slice %arg2[%dma_wait3A_195, %dma_wait3A_196] : memref<40000x128xf32, #tpu.memory_space<hbm>> -> memref<80x128xf32, #tpu.memory_space<hbm>>
    %dma_wait3A_198 = arith.constant 0 : i32
    %dma_wait3A_199 = arith.constant 0 : i32
    %dma_wait3A_200 = tpu.memref_slice %arg2[%dma_wait3A_198, %dma_wait3A_199] : memref<40000x128xf32, #tpu.memory_space<hbm>> -> memref<80x128xf32, #tpu.memory_space<hbm>>
    tpu.wait_dma2 semaphore(%arg15 : memref<!tpu.dma_semaphore, #tpu.memory_space<semaphore_mem>>) src(%dma_wait3A_200 : memref<80x128xf32, #tpu.memory_space<hbm>>) dst(%arg11 : memref<80x128xf32, #tpu.memory_space<vmem>>)
    %dma_wait3A_201 = arith.constant 0 : i32
    %dma_wait3A_202 = tpu.memref_slice %arg4[%dma_wait3A_201] : memref<160000xi32, #tpu.memory_space<hbm>> -> memref<80xi32, #tpu.memory_space<hbm>>
    %dma_wait3A_203 = arith.constant 0 : i32
    %dma_wait3A_204 = tpu.memref_slice %arg4[%dma_wait3A_203] : memref<160000xi32, #tpu.memory_space<hbm>> -> memref<80xi32, #tpu.memory_space<hbm>>
    tpu.wait_dma2 semaphore(%arg18 : memref<!tpu.dma_semaphore, #tpu.memory_space<semaphore_mem>>) src(%dma_wait3A_204 : memref<80xi32, #tpu.memory_space<hbm>>) dst(%arg8 : memref<80xi32, #tpu.memory_space<vmem>>)
    %dma_start3A_205 = arith.constant 0 : i32
    %dma_start3A_206 = arith.constant 0 : i32
    %dma_start3A_207 = tpu.memref_slice %arg13[%dma_start3A_205, %dma_start3A_206] : memref<10000x128xf32, #tpu.memory_space<vmem_shared>> -> memref<10000x128xf32, #tpu.memory_space<vmem_shared>>
    tpu.enqueue_indirect_dma source(%arg11 : memref<80x128xf32, #tpu.memory_space<vmem>>) target(%dma_start3A_207 : memref<10000x128xf32, #tpu.memory_space<vmem_shared>>) offsets(%arg8 : memref<80xi32, #tpu.memory_space<vmem>>) semaphore(%arg21 : memref<!tpu.dma_semaphore, #tpu.memory_space<semaphore_mem>>) {add = true}
    %scan3A_208 = arith.constant 0 : i32
    %scan3A_209 = arith.constant 0 : i32
    %scan3A_210 = arith.constant 41 : i32
    %scan3A_211 = arith.addi %scan3A_209, %scan3A_210 : i32
    %scan3A_212 = arith.constant 1 : i32
    scf.for %scan3A_226 = %scan3A_209 to %scan3A_211 step %scan3A_212  : i32 {
      %mul3A_227 = arith.constant 3 : i32
      %mul3A_228 = arith.muli %mul3A_227, %scan3A_226 : i32
      %add3A_229 = arith.constant 2 : i32
      %add3A_230 = arith.addi %add3A_229, %mul3A_228 : i32
      %add3A_231 = arith.constant 0 : i32
      %add3A_232 = arith.addi %add3A_230, %add3A_231 : i32
      %dma_wait3A_233 = arith.constant 0 : i32
      %dma_wait3A_234 = arith.constant 0 : i32
      %dma_wait3A_235 = tpu.memref_slice %arg2[%dma_wait3A_233, %dma_wait3A_234] : memref<40000x128xf32, #tpu.memory_space<hbm>> -> memref<80x128xf32, #tpu.memory_space<hbm>>
      %dma_wait3A_236 = arith.constant 0 : i32
      %dma_wait3A_237 = arith.constant 0 : i32
      %dma_wait3A_238 = tpu.memref_slice %arg2[%dma_wait3A_236, %dma_wait3A_237] : memref<40000x128xf32, #tpu.memory_space<hbm>> -> memref<80x128xf32, #tpu.memory_space<hbm>>
      tpu.wait_dma2 semaphore(%arg21 : memref<!tpu.dma_semaphore, #tpu.memory_space<semaphore_mem>>) src(%dma_wait3A_238 : memref<80x128xf32, #tpu.memory_space<hbm>>) dst(%arg11 : memref<80x128xf32, #tpu.memory_space<vmem>>)
      %add3A_239 = arith.constant 2 : i32
      %add3A_240 = arith.addi %add3A_232, %add3A_239 : i32
      %lt3A = arith.constant 125 : i32
      %lt3A_241 = arith.cmpi slt, %add3A_240, %lt3A : i32
      %convert_element_type3A = arith.extui %lt3A_241 : i1 to i32
      %cond3A = arith.constant 0 : i32
      %cond3A_242 = arith.cmpi ne, %convert_element_type3A, %cond3A : i32
      scf.if %cond3A_242 {
        %add3A_312 = arith.constant 2 : i32
        %add3A_313 = arith.addi %add3A_232, %add3A_312 : i32
        %mul3A_314 = arith.constant 80 : i32
        %mul3A_315 = arith.muli %add3A_313, %mul3A_314 : i32
        %dma_start3A_316 = tpu.memref_slice %arg6[%mul3A_315] : memref<10000xi32, #tpu.memory_space<vmem>> -> memref<80xi32, #tpu.memory_space<vmem>>
        %dma_start3A_317 = arith.constant 0 : i32
        %dma_start3A_318 = tpu.memref_slice %arg2[%mul3A_117, %dma_start3A_317] : memref<40000x128xf32, #tpu.memory_space<hbm>> -> memref<10000x128xf32, #tpu.memory_space<hbm>>
        %dma_start3A_319 = arith.constant 0 : i32
        %dma_start3A_320 = arith.constant 0 : i32
        %dma_start3A_321 = tpu.memref_slice %dma_start3A_318[%dma_start3A_319, %dma_start3A_320] : memref<10000x128xf32, #tpu.memory_space<hbm>> -> memref<10000x128xf32, #tpu.memory_space<hbm>>
        tpu.enqueue_indirect_dma source(%dma_start3A_321 : memref<10000x128xf32, #tpu.memory_space<hbm>>) target(%arg11 : memref<80x128xf32, #tpu.memory_space<vmem>>) offsets(%dma_start3A_316 : memref<80xi32, #tpu.memory_space<vmem>>) semaphore(%arg15 : memref<!tpu.dma_semaphore, #tpu.memory_space<semaphore_mem>>)
        %add3A_322 = arith.constant 2 : i32
        %add3A_323 = arith.addi %add3A_232, %add3A_322 : i32
        %add3A_324 = arith.addi %mul3A_0, %add3A_323 : i32
        %mul3A_325 = arith.constant 80 : i32
        %mul3A_326 = arith.muli %add3A_324, %mul3A_325 : i32
        %dma_start3A_327 = tpu.memref_slice %arg4[%mul3A_326] : memref<160000xi32, #tpu.memory_space<hbm>> -> memref<80xi32, #tpu.memory_space<hbm>>
        %dma_start3A_328 = tpu.memref_slice %arg4[%mul3A_326] : memref<160000xi32, #tpu.memory_space<hbm>> -> memref<80xi32, #tpu.memory_space<hbm>>
        tpu.enqueue_dma source(%dma_start3A_328 : memref<80xi32, #tpu.memory_space<hbm>>) target(%arg8 : memref<80xi32, #tpu.memory_space<vmem>>) target_semaphore(%arg18 : memref<!tpu.dma_semaphore, #tpu.memory_space<semaphore_mem>>)
      } else {
      }
      %dma_wait3A_243 = arith.constant 0 : i32
      %dma_wait3A_244 = arith.constant 0 : i32
      %dma_wait3A_245 = tpu.memref_slice %arg2[%dma_wait3A_243, %dma_wait3A_244] : memref<40000x128xf32, #tpu.memory_space<hbm>> -> memref<80x128xf32, #tpu.memory_space<hbm>>
      %dma_wait3A_246 = arith.constant 0 : i32
      %dma_wait3A_247 = arith.constant 0 : i32
      %dma_wait3A_248 = tpu.memref_slice %arg2[%dma_wait3A_246, %dma_wait3A_247] : memref<40000x128xf32, #tpu.memory_space<hbm>> -> memref<80x128xf32, #tpu.memory_space<hbm>>
      tpu.wait_dma2 semaphore(%arg16 : memref<!tpu.dma_semaphore, #tpu.memory_space<semaphore_mem>>) src(%dma_wait3A_248 : memref<80x128xf32, #tpu.memory_space<hbm>>) dst(%arg12 : memref<80x128xf32, #tpu.memory_space<vmem>>)
      %dma_wait3A_249 = arith.constant 0 : i32
      %dma_wait3A_250 = tpu.memref_slice %arg4[%dma_wait3A_249] : memref<160000xi32, #tpu.memory_space<hbm>> -> memref<80xi32, #tpu.memory_space<hbm>>
      %dma_wait3A_251 = arith.constant 0 : i32
      %dma_wait3A_252 = tpu.memref_slice %arg4[%dma_wait3A_251] : memref<160000xi32, #tpu.memory_space<hbm>> -> memref<80xi32, #tpu.memory_space<hbm>>
      tpu.wait_dma2 semaphore(%arg19 : memref<!tpu.dma_semaphore, #tpu.memory_space<semaphore_mem>>) src(%dma_wait3A_252 : memref<80xi32, #tpu.memory_space<hbm>>) dst(%arg9 : memref<80xi32, #tpu.memory_space<vmem>>)
      %dma_start3A_253 = arith.constant 0 : i32
      %dma_start3A_254 = arith.constant 0 : i32
      %dma_start3A_255 = tpu.memref_slice %arg13[%dma_start3A_253, %dma_start3A_254] : memref<10000x128xf32, #tpu.memory_space<vmem_shared>> -> memref<10000x128xf32, #tpu.memory_space<vmem_shared>>
      tpu.enqueue_indirect_dma source(%arg12 : memref<80x128xf32, #tpu.memory_space<vmem>>) target(%dma_start3A_255 : memref<10000x128xf32, #tpu.memory_space<vmem_shared>>) offsets(%arg9 : memref<80xi32, #tpu.memory_space<vmem>>) semaphore(%arg22 : memref<!tpu.dma_semaphore, #tpu.memory_space<semaphore_mem>>) {add = true}
      %add3A_256 = arith.constant 1 : i32
      %add3A_257 = arith.addi %add3A_230, %add3A_256 : i32
      %dma_wait3A_258 = arith.constant 0 : i32
      %dma_wait3A_259 = arith.constant 0 : i32
      %dma_wait3A_260 = tpu.memref_slice %arg2[%dma_wait3A_258, %dma_wait3A_259] : memref<40000x128xf32, #tpu.memory_space<hbm>> -> memref<80x128xf32, #tpu.memory_space<hbm>>
      %dma_wait3A_261 = arith.constant 0 : i32
      %dma_wait3A_262 = arith.constant 0 : i32
      %dma_wait3A_263 = tpu.memref_slice %arg2[%dma_wait3A_261, %dma_wait3A_262] : memref<40000x128xf32, #tpu.memory_space<hbm>> -> memref<80x128xf32, #tpu.memory_space<hbm>>
      tpu.wait_dma2 semaphore(%arg22 : memref<!tpu.dma_semaphore, #tpu.memory_space<semaphore_mem>>) src(%dma_wait3A_263 : memref<80x128xf32, #tpu.memory_space<hbm>>) dst(%arg12 : memref<80x128xf32, #tpu.memory_space<vmem>>)
      %add3A_264 = arith.constant 2 : i32
      %add3A_265 = arith.addi %add3A_257, %add3A_264 : i32
      %lt3A_266 = arith.constant 125 : i32
      %lt3A_267 = arith.cmpi slt, %add3A_265, %lt3A_266 : i32
      %convert_element_type3A_268 = arith.extui %lt3A_267 : i1 to i32
      %cond3A_269 = arith.constant 0 : i32
      %cond3A_270 = arith.cmpi ne, %convert_element_type3A_268, %cond3A_269 : i32
      scf.if %cond3A_270 {
        %add3A_312 = arith.constant 2 : i32
        %add3A_313 = arith.addi %add3A_257, %add3A_312 : i32
        %mul3A_314 = arith.constant 80 : i32
        %mul3A_315 = arith.muli %add3A_313, %mul3A_314 : i32
        %dma_start3A_316 = tpu.memref_slice %arg6[%mul3A_315] : memref<10000xi32, #tpu.memory_space<vmem>> -> memref<80xi32, #tpu.memory_space<vmem>>
        %dma_start3A_317 = arith.constant 0 : i32
        %dma_start3A_318 = tpu.memref_slice %arg2[%mul3A_117, %dma_start3A_317] : memref<40000x128xf32, #tpu.memory_space<hbm>> -> memref<10000x128xf32, #tpu.memory_space<hbm>>
        %dma_start3A_319 = arith.constant 0 : i32
        %dma_start3A_320 = arith.constant 0 : i32
        %dma_start3A_321 = tpu.memref_slice %dma_start3A_318[%dma_start3A_319, %dma_start3A_320] : memref<10000x128xf32, #tpu.memory_space<hbm>> -> memref<10000x128xf32, #tpu.memory_space<hbm>>
        tpu.enqueue_indirect_dma source(%dma_start3A_321 : memref<10000x128xf32, #tpu.memory_space<hbm>>) target(%arg12 : memref<80x128xf32, #tpu.memory_space<vmem>>) offsets(%dma_start3A_316 : memref<80xi32, #tpu.memory_space<vmem>>) semaphore(%arg16 : memref<!tpu.dma_semaphore, #tpu.memory_space<semaphore_mem>>)
        %add3A_322 = arith.constant 2 : i32
        %add3A_323 = arith.addi %add3A_257, %add3A_322 : i32
        %add3A_324 = arith.addi %mul3A_0, %add3A_323 : i32
        %mul3A_325 = arith.constant 80 : i32
        %mul3A_326 = arith.muli %add3A_324, %mul3A_325 : i32
        %dma_start3A_327 = tpu.memref_slice %arg4[%mul3A_326] : memref<160000xi32, #tpu.memory_space<hbm>> -> memref<80xi32, #tpu.memory_space<hbm>>
        %dma_start3A_328 = tpu.memref_slice %arg4[%mul3A_326] : memref<160000xi32, #tpu.memory_space<hbm>> -> memref<80xi32, #tpu.memory_space<hbm>>
        tpu.enqueue_dma source(%dma_start3A_328 : memref<80xi32, #tpu.memory_space<hbm>>) target(%arg9 : memref<80xi32, #tpu.memory_space<vmem>>) target_semaphore(%arg19 : memref<!tpu.dma_semaphore, #tpu.memory_space<semaphore_mem>>)
      } else {
      }
      %dma_wait3A_271 = arith.constant 0 : i32
      %dma_wait3A_272 = arith.constant 0 : i32
      %dma_wait3A_273 = tpu.memref_slice %arg2[%dma_wait3A_271, %dma_wait3A_272] : memref<40000x128xf32, #tpu.memory_space<hbm>> -> memref<80x128xf32, #tpu.memory_space<hbm>>
      %dma_wait3A_274 = arith.constant 0 : i32
      %dma_wait3A_275 = arith.constant 0 : i32
      %dma_wait3A_276 = tpu.memref_slice %arg2[%dma_wait3A_274, %dma_wait3A_275] : memref<40000x128xf32, #tpu.memory_space<hbm>> -> memref<80x128xf32, #tpu.memory_space<hbm>>
      tpu.wait_dma2 semaphore(%arg14 : memref<!tpu.dma_semaphore, #tpu.memory_space<semaphore_mem>>) src(%dma_wait3A_276 : memref<80x128xf32, #tpu.memory_space<hbm>>) dst(%arg10 : memref<80x128xf32, #tpu.memory_space<vmem>>)
      %dma_wait3A_277 = arith.constant 0 : i32
      %dma_wait3A_278 = tpu.memref_slice %arg4[%dma_wait3A_277] : memref<160000xi32, #tpu.memory_space<hbm>> -> memref<80xi32, #tpu.memory_space<hbm>>
      %dma_wait3A_279 = arith.constant 0 : i32
      %dma_wait3A_280 = tpu.memref_slice %arg4[%dma_wait3A_279] : memref<160000xi32, #tpu.memory_space<hbm>> -> memref<80xi32, #tpu.memory_space<hbm>>
      tpu.wait_dma2 semaphore(%arg17 : memref<!tpu.dma_semaphore, #tpu.memory_space<semaphore_mem>>) src(%dma_wait3A_280 : memref<80xi32, #tpu.memory_space<hbm>>) dst(%arg7 : memref<80xi32, #tpu.memory_space<vmem>>)
      %dma_start3A_281 = arith.constant 0 : i32
      %dma_start3A_282 = arith.constant 0 : i32
      %dma_start3A_283 = tpu.memref_slice %arg13[%dma_start3A_281, %dma_start3A_282] : memref<10000x128xf32, #tpu.memory_space<vmem_shared>> -> memref<10000x128xf32, #tpu.memory_space<vmem_shared>>
      tpu.enqueue_indirect_dma source(%arg10 : memref<80x128xf32, #tpu.memory_space<vmem>>) target(%dma_start3A_283 : memref<10000x128xf32, #tpu.memory_space<vmem_shared>>) offsets(%arg7 : memref<80xi32, #tpu.memory_space<vmem>>) semaphore(%arg20 : memref<!tpu.dma_semaphore, #tpu.memory_space<semaphore_mem>>) {add = true}
      %add3A_284 = arith.constant 2 : i32
      %add3A_285 = arith.addi %add3A_230, %add3A_284 : i32
      %dma_wait3A_286 = arith.constant 0 : i32
      %dma_wait3A_287 = arith.constant 0 : i32
      %dma_wait3A_288 = tpu.memref_slice %arg2[%dma_wait3A_286, %dma_wait3A_287] : memref<40000x128xf32, #tpu.memory_space<hbm>> -> memref<80x128xf32, #tpu.memory_space<hbm>>
      %dma_wait3A_289 = arith.constant 0 : i32
      %dma_wait3A_290 = arith.constant 0 : i32
      %dma_wait3A_291 = tpu.memref_slice %arg2[%dma_wait3A_289, %dma_wait3A_290] : memref<40000x128xf32, #tpu.memory_space<hbm>> -> memref<80x128xf32, #tpu.memory_space<hbm>>
      tpu.wait_dma2 semaphore(%arg20 : memref<!tpu.dma_semaphore, #tpu.memory_space<semaphore_mem>>) src(%dma_wait3A_291 : memref<80x128xf32, #tpu.memory_space<hbm>>) dst(%arg10 : memref<80x128xf32, #tpu.memory_space<vmem>>)
      %add3A_292 = arith.constant 2 : i32
      %add3A_293 = arith.addi %add3A_285, %add3A_292 : i32
      %lt3A_294 = arith.constant 125 : i32
      %lt3A_295 = arith.cmpi slt, %add3A_293, %lt3A_294 : i32
      %convert_element_type3A_296 = arith.extui %lt3A_295 : i1 to i32
      %cond3A_297 = arith.constant 0 : i32
      %cond3A_298 = arith.cmpi ne, %convert_element_type3A_296, %cond3A_297 : i32
      scf.if %cond3A_298 {
        %add3A_312 = arith.constant 2 : i32
        %add3A_313 = arith.addi %add3A_285, %add3A_312 : i32
        %mul3A_314 = arith.constant 80 : i32
        %mul3A_315 = arith.muli %add3A_313, %mul3A_314 : i32
        %dma_start3A_316 = tpu.memref_slice %arg6[%mul3A_315] : memref<10000xi32, #tpu.memory_space<vmem>> -> memref<80xi32, #tpu.memory_space<vmem>>
        %dma_start3A_317 = arith.constant 0 : i32
        %dma_start3A_318 = tpu.memref_slice %arg2[%mul3A_117, %dma_start3A_317] : memref<40000x128xf32, #tpu.memory_space<hbm>> -> memref<10000x128xf32, #tpu.memory_space<hbm>>
        %dma_start3A_319 = arith.constant 0 : i32
        %dma_start3A_320 = arith.constant 0 : i32
        %dma_start3A_321 = tpu.memref_slice %dma_start3A_318[%dma_start3A_319, %dma_start3A_320] : memref<10000x128xf32, #tpu.memory_space<hbm>> -> memref<10000x128xf32, #tpu.memory_space<hbm>>
        tpu.enqueue_indirect_dma source(%dma_start3A_321 : memref<10000x128xf32, #tpu.memory_space<hbm>>) target(%arg10 : memref<80x128xf32, #tpu.memory_space<vmem>>) offsets(%dma_start3A_316 : memref<80xi32, #tpu.memory_space<vmem>>) semaphore(%arg14 : memref<!tpu.dma_semaphore, #tpu.memory_space<semaphore_mem>>)
        %add3A_322 = arith.constant 2 : i32
        %add3A_323 = arith.addi %add3A_285, %add3A_322 : i32
        %add3A_324 = arith.addi %mul3A_0, %add3A_323 : i32
        %mul3A_325 = arith.constant 80 : i32
        %mul3A_326 = arith.muli %add3A_324, %mul3A_325 : i32
        %dma_start3A_327 = tpu.memref_slice %arg4[%mul3A_326] : memref<160000xi32, #tpu.memory_space<hbm>> -> memref<80xi32, #tpu.memory_space<hbm>>
        %dma_start3A_328 = tpu.memref_slice %arg4[%mul3A_326] : memref<160000xi32, #tpu.memory_space<hbm>> -> memref<80xi32, #tpu.memory_space<hbm>>
        tpu.enqueue_dma source(%dma_start3A_328 : memref<80xi32, #tpu.memory_space<hbm>>) target(%arg7 : memref<80xi32, #tpu.memory_space<vmem>>) target_semaphore(%arg17 : memref<!tpu.dma_semaphore, #tpu.memory_space<semaphore_mem>>)
      } else {
      }
      %dma_wait3A_299 = arith.constant 0 : i32
      %dma_wait3A_300 = arith.constant 0 : i32
      %dma_wait3A_301 = tpu.memref_slice %arg2[%dma_wait3A_299, %dma_wait3A_300] : memref<40000x128xf32, #tpu.memory_space<hbm>> -> memref<80x128xf32, #tpu.memory_space<hbm>>
      %dma_wait3A_302 = arith.constant 0 : i32
      %dma_wait3A_303 = arith.constant 0 : i32
      %dma_wait3A_304 = tpu.memref_slice %arg2[%dma_wait3A_302, %dma_wait3A_303] : memref<40000x128xf32, #tpu.memory_space<hbm>> -> memref<80x128xf32, #tpu.memory_space<hbm>>
      tpu.wait_dma2 semaphore(%arg15 : memref<!tpu.dma_semaphore, #tpu.memory_space<semaphore_mem>>) src(%dma_wait3A_304 : memref<80x128xf32, #tpu.memory_space<hbm>>) dst(%arg11 : memref<80x128xf32, #tpu.memory_space<vmem>>)
      %dma_wait3A_305 = arith.constant 0 : i32
      %dma_wait3A_306 = tpu.memref_slice %arg4[%dma_wait3A_305] : memref<160000xi32, #tpu.memory_space<hbm>> -> memref<80xi32, #tpu.memory_space<hbm>>
      %dma_wait3A_307 = arith.constant 0 : i32
      %dma_wait3A_308 = tpu.memref_slice %arg4[%dma_wait3A_307] : memref<160000xi32, #tpu.memory_space<hbm>> -> memref<80xi32, #tpu.memory_space<hbm>>
      tpu.wait_dma2 semaphore(%arg18 : memref<!tpu.dma_semaphore, #tpu.memory_space<semaphore_mem>>) src(%dma_wait3A_308 : memref<80xi32, #tpu.memory_space<hbm>>) dst(%arg8 : memref<80xi32, #tpu.memory_space<vmem>>)
      %dma_start3A_309 = arith.constant 0 : i32
      %dma_start3A_310 = arith.constant 0 : i32
      %dma_start3A_311 = tpu.memref_slice %arg13[%dma_start3A_309, %dma_start3A_310] : memref<10000x128xf32, #tpu.memory_space<vmem_shared>> -> memref<10000x128xf32, #tpu.memory_space<vmem_shared>>
      tpu.enqueue_indirect_dma source(%arg11 : memref<80x128xf32, #tpu.memory_space<vmem>>) target(%dma_start3A_311 : memref<10000x128xf32, #tpu.memory_space<vmem_shared>>) offsets(%arg8 : memref<80xi32, #tpu.memory_space<vmem>>) semaphore(%arg21 : memref<!tpu.dma_semaphore, #tpu.memory_space<semaphore_mem>>) {add = true}
    }
    %scan3A_213 = arith.constant 41 : i32
    %dma_wait3A_214 = arith.constant 0 : i32
    %dma_wait3A_215 = arith.constant 0 : i32
    %dma_wait3A_216 = tpu.memref_slice %arg2[%dma_wait3A_214, %dma_wait3A_215] : memref<40000x128xf32, #tpu.memory_space<hbm>> -> memref<80x128xf32, #tpu.memory_space<hbm>>
    %dma_wait3A_217 = arith.constant 0 : i32
    %dma_wait3A_218 = arith.constant 0 : i32
    %dma_wait3A_219 = tpu.memref_slice %arg2[%dma_wait3A_217, %dma_wait3A_218] : memref<40000x128xf32, #tpu.memory_space<hbm>> -> memref<80x128xf32, #tpu.memory_space<hbm>>
    tpu.wait_dma2 semaphore(%arg21 : memref<!tpu.dma_semaphore, #tpu.memory_space<semaphore_mem>>) src(%dma_wait3A_219 : memref<80x128xf32, #tpu.memory_space<hbm>>) dst(%arg11 : memref<80x128xf32, #tpu.memory_space<vmem>>)
    %barrier3A_220 = arith.constant 0 : index
    tpu.barrier barrier_id(%barrier3A_220)
    %mul3A_221 = arith.constant 625 : i32
    %mul3A_222 = arith.muli %arg1, %mul3A_221 : i32
    %mul3A_223 = arith.constant 625 : i32
    %mul3A_224 = arith.muli %arg1, %mul3A_223 : i32
    %add3A_225 = arith.addi %mul3A_117, %mul3A_224 : i32
    "tpu.region"() ({
      %run_scoped3A = tpu.sem_alloc : memref<!tpu.dma_semaphore, #tpu.memory_space<semaphore_mem>>
      %dma_start3A_226 = arith.constant 0 : i32
      %dma_start3A_227 = tpu.memref_slice %arg5[%add3A_225, %dma_start3A_226] : memref<40000x128xf32, #tpu.memory_space<hbm>> -> memref<625x128xf32, #tpu.memory_space<hbm>>
      %dma_start3A_228 = arith.constant 0 : i32
      %dma_start3A_229 = tpu.memref_slice %arg13[%mul3A_222, %dma_start3A_228] : memref<10000x128xf32, #tpu.memory_space<vmem_shared>> -> memref<625x128xf32, #tpu.memory_space<vmem_shared>>
      tpu.enqueue_dma source(%dma_start3A_229 : memref<625x128xf32, #tpu.memory_space<vmem_shared>>) target(%dma_start3A_227 : memref<625x128xf32, #tpu.memory_space<hbm>>) target_semaphore(%run_scoped3A : memref<!tpu.dma_semaphore, #tpu.memory_space<semaphore_mem>>)
      %dma_wait3A_230 = arith.constant 0 : i32
      %dma_wait3A_231 = tpu.memref_slice %arg5[%add3A_225, %dma_wait3A_230] : memref<40000x128xf32, #tpu.memory_space<hbm>> -> memref<625x128xf32, #tpu.memory_space<hbm>>
      %dma_wait3A_232 = arith.constant 0 : i32
      %dma_wait3A_233 = tpu.memref_slice %arg13[%mul3A_222, %dma_wait3A_232] : memref<10000x128xf32, #tpu.memory_space<vmem_shared>> -> memref<625x128xf32, #tpu.memory_space<vmem_shared>>
      tpu.wait_dma2 semaphore(%run_scoped3A : memref<!tpu.dma_semaphore, #tpu.memory_space<semaphore_mem>>) src(%dma_wait3A_233 : memref<625x128xf32, #tpu.memory_space<vmem_shared>>) dst(%dma_wait3A_231 : memref<625x128xf32, #tpu.memory_space<hbm>>)
      tpu.yield
    }) : () -> ()
    return
  }
}

module attributes {stable_mosaic.version = 14 : i64} {
  func.func @_mm_body(%arg0: i32, %arg1: memref<10000x256xf32, #tpu.memory_space<vmem>>, %arg2: memref<256x128xf32, #tpu.memory_space<vmem>>, %arg3: memref<32x10000xf32, #tpu.memory_space<vmem>>, %arg4: memref<32x1xf32, #tpu.memory_space<vmem>>, %arg5: memref<10000x128xf32, #tpu.memory_space<vmem>>, %arg6: memref<10000x1xf32, #tpu.memory_space<vmem>>) attributes {dimension_semantics = [#tpu.dimension_semantics<arbitrary>], iteration_bounds = array<i64: 4>, scalar_prefetch = 0 : i64, scratch_operands = 0 : i64, tpu.core_type = #tpu.core_type<tc>, window_params = [{pipeline_mode = #tpu.pipeline_mode<synchronous>, transform_indices = @transform_0, window_bounds = array<i64: 10000, 256>}, {transform_indices = @transform_1, window_bounds = array<i64: 256, 128>}, {pipeline_mode = #tpu.pipeline_mode<synchronous>, transform_indices = @transform_2, window_bounds = array<i64: 32, 10000>}, {pipeline_mode = #tpu.pipeline_mode<synchronous>, transform_indices = @transform_3, window_bounds = array<i64: 32, 1>}, {transform_indices = @transform_4, window_bounds = array<i64: 10000, 128>}, {pipeline_mode = #tpu.pipeline_mode<synchronous>, transform_indices = @transform_5, window_bounds = array<i64: 10000, 1>}]} {
    %get3A = arith.constant 0 : index
    %get3A_0 = arith.constant 0 : index
    %get3A_1 = vector.load %arg3[%get3A, %get3A_0] : memref<32x10000xf32, #tpu.memory_space<vmem>>, vector<32x10000xf32>
    %get3A_2 = arith.constant 0 : index
    %get3A_3 = arith.constant 0 : index
    %get3A_4 = vector.load %arg4[%get3A_2, %get3A_3] : memref<32x1xf32, #tpu.memory_space<vmem>>, vector<32x1xf32>
    %dot_general3A = arith.constant dense<0.000000e+00> : vector<10000x1xf32>
    %dot_general3A_5 = tpu.matmul %get3A_1, %get3A_4, %dot_general3A {dimension_numbers = #tpu.dot_dimension_numbers<[0], [0], [1], [1], [0, 1, 1, 1], [], []>, transpose_lhs_hint = false} : vector<32x10000xf32>, vector<32x1xf32>, vector<10000x1xf32> -> vector<10000x1xf32>
    %add3A = arith.constant 1.000000e+00 : f32
    %add3A_6 = vector.broadcast %add3A : f32 to vector<10000x1xf32>
    %add3A_7 = arith.addf %dot_general3A_5, %add3A_6 : vector<10000x1xf32>
    %rsqrt3A = math.rsqrt %add3A_7 : vector<10000x1xf32>
    %get3A_8 = arith.constant 0 : index
    %get3A_9 = arith.constant 0 : index
    %get3A_10 = vector.load %arg1[%get3A_8, %get3A_9] : memref<10000x256xf32, #tpu.memory_space<vmem>>, vector<10000x256xf32>
    %get3A_11 = arith.constant 0 : index
    %get3A_12 = arith.constant 0 : index
    %get3A_13 = vector.load %arg2[%get3A_11, %get3A_12] : memref<256x128xf32, #tpu.memory_space<vmem>>, vector<256x128xf32>
    %dot_general3A_14 = arith.constant dense<0.000000e+00> : vector<10000x128xf32>
    %dot_general3A_15 = tpu.matmul %get3A_10, %get3A_13, %dot_general3A_14 {dimension_numbers = #tpu.dot_dimension_numbers<[1], [0], [0], [1], [0, 0, 1, 1], [], []>, transpose_lhs_hint = false} : vector<10000x256xf32>, vector<256x128xf32>, vector<10000x128xf32> -> vector<10000x128xf32>
    %mul3A = vector.broadcast %rsqrt3A : vector<10000x1xf32> to vector<10000x128xf32>
    %mul3A_16 = arith.mulf %dot_general3A_15, %mul3A : vector<10000x128xf32>
    %swap3A = arith.constant 0 : index
    %swap3A_17 = arith.constant 0 : index
    %swap3A_18 = vector.load %arg5[%swap3A, %swap3A_17] : memref<10000x128xf32, #tpu.memory_space<vmem>>, vector<10000x128xf32>
    tpu.vector_store %arg5[%swap3A, %swap3A_17], %mul3A_16 {strides = array<i32>} : memref<10000x128xf32, #tpu.memory_space<vmem>>, vector<10000x128xf32>,
    %swap3A_19 = arith.constant 0 : index
    %swap3A_20 = arith.constant 0 : index
    %swap3A_21 = vector.load %arg6[%swap3A_19, %swap3A_20] : memref<10000x1xf32, #tpu.memory_space<vmem>>, vector<10000x1xf32>
    tpu.vector_store %arg6[%swap3A_19, %swap3A_20], %rsqrt3A {strides = array<i32>} : memref<10000x1xf32, #tpu.memory_space<vmem>>, vector<10000x1xf32>,
    return
  }
  func.func @transform_0(%arg0: i32) -> (i32, i32) {
    %c0_i32 = arith.constant 0 : i32
    %c0_i32_0 = arith.constant 0 : i32
    %c0_i32_1 = arith.constant 0 : i32
    return %c0_i32, %c0_i32_0 : i32, i32
  }
  func.func @transform_1(%arg0: i32) -> (i32, i32) {
    %c0_i32 = arith.constant 0 : i32
    %c0_i32_0 = arith.constant 0 : i32
    return %c0_i32, %arg0 : i32, i32
  }
  func.func @transform_2(%arg0: i32) -> (i32, i32) {
    %c0_i32 = arith.constant 0 : i32
    %c0_i32_0 = arith.constant 0 : i32
    %c0_i32_1 = arith.constant 0 : i32
    return %c0_i32, %c0_i32_0 : i32, i32
  }
  func.func @transform_3(%arg0: i32) -> (i32, i32) {
    %c0_i32 = arith.constant 0 : i32
    %c0_i32_0 = arith.constant 0 : i32
    %c0_i32_1 = arith.constant 0 : i32
    return %c0_i32, %c0_i32_0 : i32, i32
  }
  func.func @transform_4(%arg0: i32) -> (i32, i32) {
    %c0_i32 = arith.constant 0 : i32
    %c0_i32_0 = arith.constant 0 : i32
    return %arg0, %c0_i32 : i32, i32
  }
  func.func @transform_5(%arg0: i32) -> (i32, i32) {
    %c0_i32 = arith.constant 0 : i32
    %c0_i32_0 = arith.constant 0 : i32
    %c0_i32_1 = arith.constant 0 : i32
    return %c0_i32, %c0_i32_0 : i32, i32
  }
}

module attributes {stable_mosaic.version = 14 : i64} {
  func.func @_final_body(%arg0: i32, %arg1: memref<4x1000x128xf32, #tpu.memory_space<vmem>>, %arg2: memref<1000x1xf32, #tpu.memory_space<vmem>>, %arg3: memref<1x256xf32, #tpu.memory_space<vmem>>, %arg4: memref<1x256xf32, #tpu.memory_space<vmem>>, %arg5: memref<1000x256xf32, #tpu.memory_space<vmem>>, %arg6: memref<1000x256xf32, #tpu.memory_space<vmem>>) attributes {dimension_semantics = [#tpu.dimension_semantics<arbitrary>], iteration_bounds = array<i64: 10>, scalar_prefetch = 0 : i64, scratch_operands = 0 : i64, tpu.core_type = #tpu.core_type<tc>, window_params = [{transform_indices = @transform_0, window_bounds = array<i64: 4, 1000, 128>}, {transform_indices = @transform_1, window_bounds = array<i64: 1000, 1>}, {pipeline_mode = #tpu.pipeline_mode<synchronous>, transform_indices = @transform_2, window_bounds = array<i64: 1, 256>}, {pipeline_mode = #tpu.pipeline_mode<synchronous>, transform_indices = @transform_3, window_bounds = array<i64: 1, 256>}, {transform_indices = @transform_4, window_bounds = array<i64: 1000, 256>}, {transform_indices = @transform_5, window_bounds = array<i64: 1000, 256>}]} {
    %get3A = arith.constant 0 : index
    %get3A_0 = arith.constant 0 : index
    %get3A_1 = arith.constant 0 : index
    %get3A_2 = vector.load %arg1[%get3A, %get3A_0, %get3A_1] : memref<4x1000x128xf32, #tpu.memory_space<vmem>>, vector<4x1000x128xf32>
    %get3A_3 = arith.constant 0 : index
    %get3A_4 = arith.constant 0 : index
    %get3A_5 = vector.load %arg2[%get3A_3, %get3A_4] : memref<1000x1xf32, #tpu.memory_space<vmem>>, vector<1000x1xf32>
    %slice3A = vector.extract_strided_slice %get3A_2 {offsets = [0, 0, 0], sizes = [1, 1000, 128], strides = [1, 1, 1]} : vector<4x1000x128xf32> to vector<1x1000x128xf32>
    %squeeze3A = vector.shape_cast %slice3A : vector<1x1000x128xf32> to vector<1000x128xf32>
    %slice3A_6 = vector.extract_strided_slice %get3A_2 {offsets = [1, 0, 0], sizes = [1, 1000, 128], strides = [1, 1, 1]} : vector<4x1000x128xf32> to vector<1x1000x128xf32>
    %squeeze3A_7 = vector.shape_cast %slice3A_6 : vector<1x1000x128xf32> to vector<1000x128xf32>
    %concatenate3A = tpu.concatenate %squeeze3A, %squeeze3A_7 in 1 : vector<1000x128xf32>, vector<1000x128xf32> -> vector<1000x256xf32>
    %mul3A = vector.broadcast %get3A_5 : vector<1000x1xf32> to vector<1000x256xf32>
    %mul3A_8 = arith.mulf %concatenate3A, %mul3A : vector<1000x256xf32>
    %get3A_9 = arith.constant 0 : index
    %get3A_10 = arith.constant 0 : index
    %get3A_11 = vector.load %arg3[%get3A_9, %get3A_10] : memref<1x256xf32, #tpu.memory_space<vmem>>, vector<1x256xf32>
    %add3A = vector.broadcast %get3A_11 : vector<1x256xf32> to vector<1000x256xf32>
    %add3A_12 = arith.addf %mul3A_8, %add3A : vector<1000x256xf32>
    %swap3A = arith.constant 0 : index
    %swap3A_13 = arith.constant 0 : index
    %swap3A_14 = vector.load %arg5[%swap3A, %swap3A_13] : memref<1000x256xf32, #tpu.memory_space<vmem>>, vector<1000x256xf32>
    tpu.vector_store %arg5[%swap3A, %swap3A_13], %add3A_12 {strides = array<i32>} : memref<1000x256xf32, #tpu.memory_space<vmem>>, vector<1000x256xf32>,
    %slice3A_15 = vector.extract_strided_slice %get3A_2 {offsets = [2, 0, 0], sizes = [1, 1000, 128], strides = [1, 1, 1]} : vector<4x1000x128xf32> to vector<1x1000x128xf32>
    %squeeze3A_16 = vector.shape_cast %slice3A_15 : vector<1x1000x128xf32> to vector<1000x128xf32>
    %slice3A_17 = vector.extract_strided_slice %get3A_2 {offsets = [3, 0, 0], sizes = [1, 1000, 128], strides = [1, 1, 1]} : vector<4x1000x128xf32> to vector<1x1000x128xf32>
    %squeeze3A_18 = vector.shape_cast %slice3A_17 : vector<1x1000x128xf32> to vector<1000x128xf32>
    %concatenate3A_19 = tpu.concatenate %squeeze3A_16, %squeeze3A_18 in 1 : vector<1000x128xf32>, vector<1000x128xf32> -> vector<1000x256xf32>
    %mul3A_20 = vector.broadcast %get3A_5 : vector<1000x1xf32> to vector<1000x256xf32>
    %mul3A_21 = arith.mulf %concatenate3A_19, %mul3A_20 : vector<1000x256xf32>
    %get3A_22 = arith.constant 0 : index
    %get3A_23 = arith.constant 0 : index
    %get3A_24 = vector.load %arg4[%get3A_22, %get3A_23] : memref<1x256xf32, #tpu.memory_space<vmem>>, vector<1x256xf32>
    %add3A_25 = vector.broadcast %get3A_24 : vector<1x256xf32> to vector<1000x256xf32>
    %add3A_26 = arith.addf %mul3A_21, %add3A_25 : vector<1000x256xf32>
    %swap3A_27 = arith.constant 0 : index
    %swap3A_28 = arith.constant 0 : index
    %swap3A_29 = vector.load %arg6[%swap3A_27, %swap3A_28] : memref<1000x256xf32, #tpu.memory_space<vmem>>, vector<1000x256xf32>
    tpu.vector_store %arg6[%swap3A_27, %swap3A_28], %add3A_26 {strides = array<i32>} : memref<1000x256xf32, #tpu.memory_space<vmem>>, vector<1000x256xf32>,
    return
  }
  func.func @transform_0(%arg0: i32) -> (i32, i32, i32) {
    %c0_i32 = arith.constant 0 : i32
    %c0_i32_0 = arith.constant 0 : i32
    %c0_i32_1 = arith.constant 0 : i32
    return %c0_i32, %arg0, %c0_i32_0 : i32, i32, i32
  }
  func.func @transform_1(%arg0: i32) -> (i32, i32) {
    %c0_i32 = arith.constant 0 : i32
    %c0_i32_0 = arith.constant 0 : i32
    return %arg0, %c0_i32 : i32, i32
  }
  func.func @transform_2(%arg0: i32) -> (i32, i32) {
    %c0_i32 = arith.constant 0 : i32
    %c0_i32_0 = arith.constant 0 : i32
    %c0_i32_1 = arith.constant 0 : i32
    return %c0_i32, %c0_i32_0 : i32, i32
  }
  func.func @transform_3(%arg0: i32) -> (i32, i32) {
    %c0_i32 = arith.constant 0 : i32
    %c0_i32_0 = arith.constant 0 : i32
    %c0_i32_1 = arith.constant 0 : i32
    return %c0_i32, %c0_i32_0 : i32, i32
  }
  func.func @transform_4(%arg0: i32) -> (i32, i32) {
    %c0_i32 = arith.constant 0 : i32
    %c0_i32_0 = arith.constant 0 : i32
    return %arg0, %c0_i32 : i32, i32
  }
  func.func @transform_5(%arg0: i32) -> (i32, i32) {
    %c0_i32 = arith.constant 0 : i32
    %c0_i32_0 = arith.constant 0 : i32
    return %arg0, %c0_i32 : i32, i32
  }
}

</mosaic_0001>

<sc_bundles>
// kernel: kernel.6.cloned.1.call-start
scs
__scs_entry_jumppad:
0x0: {  	(pc) =	sbr.rel $0x88, $3  }
0x1: {  	(tag) =	ssettag $0x0;
	lr =	simm.s32 $0x1  }
0x2: {  	[smem:$0x3F9B] =	sst lr;
	_ =	strace $0xD0000000  }
0x3: {  	_ = 	snop  }
0x4: {  	_ = 	snop  }
0x5: {  	_ = 	snop  }
0x6: {  	_ = 	snop  }
0x7: {  	_ = 	snop  }
__scs_overlays_trampoline_lowered:
0x8: {  	[smem:$0x3FAA] =	sst s0  }
0x9: {  	[smem:$0x3FAB] =	sst s1  }
0xa: {  	[smem:$0x3FAC] =	sst s2  }
0xb: {  	[smem:$0x3FAD] =	sst s3  }
0xc: {  	[smem:$0x3FAE] =	sst s4  }
0xd: {  	[smem:$0x3FAF] =	sst s5  }
0xe: {  	[smem:$0x3FB0] =	sst s6  }
0xf: {  	[smem:$0x3FB1] =	sst s7  }
0x10: {  	[smem:$0x3FB2] =	sst s8  }
0x11: {  	[smem:$0x3FB3] =	sst s9;
	s0 =	simm.s32 @!p0 $0x0  }
0x12: {  	s1 =	sld [smem:$0x3F99];
	s0 =	simm.s32 @p0 $0x1  }
0x13: {  	[smem:$0x3FB4] =	sst s0;
	s0 =	simm.s32 @!p1 $0x0  }
0x14: {  	s2 =	sld [smem:$0x3F98];
	s0 =	simm.s32 @p1 $0x1  }
0x15: {  	[smem:$0x3FB5] =	sst s0;
	s0 =	simm.s32 @!p2 $0x0  }
0x16: {  	s3 =	sld [smem:$0x3FDB];
	s0 =	simm.s32 @p2 $0x1  }
0x17: {  	s4 =	simm.s32 $0x1BF5;
	[smem:$0x3FB7] =	sst s0  }
0x18: {  	s0 =	sld [smem:$0x3F9A];
	_ =	swait.ge [sflag:s4], $0x0  }
0x19: {  	s7 =	sld [smem:$0x3F9B]  }
0x1a: {  	s8 =	sadd.s32 $0xFFFFE003, lr  }
0x1b: {  	s9 =	sadd.s32 $0xFFFFFEF7, lr;
	s5 =	simm.s32 $0xFFFFFFFF;
	p2 =	slt.u32 s8, $0xFFFFF086  }
0x1c: {  	p1 =	slt.u32 s9, $0xF7A;
	s5 =	simm.s32 @!p2 $0x0  }
0x1d: {  	s5 =	simm.s32 @p1 $0x1;
	p0 =	seq.s32 s7, s2  }
0x1e: {  	s7 =	smul.u32 @!p0 $0xF7A, s2;
	p2 =	seq.s32 @!p0 s5, $0x0  }
0x1f: {  	s9 =	smul.u32 $0xF7A, s1;
	s8 =	simm.s32 @!p0 $0x1BF5;
	p2 =	por !p2, p0  }
0x20: {  	[sflag:s8] =	ssyncset.s32 @!p0 $0xFFFFF086;
	s6 =	sadd.s32 @!p0 s3, s7;
	s7 =	simm.s32 @!p0 $0x108  }
0x21: {  	s3 =	sadd.s32 s3, s9;
	s6 =	sadd.s32 @!p0 $0x88, s6;
	s7 =	simm.s32 @p2 $0x1082  }
0x22: {  	[simem:s7], [sflag:s8] =	dma.local @!p0 [hbm:s6], $0xF7A  }
0x23: {  	s9 =	sor.u32 $0xD0000000, s2;
	s6 =	simm.s32 $0x108;
	_ =	swait.ge @!p0 [sflag:s8], $0x0  }
0x24: {  	s3 =	sadd.s32 $0x88, s3;
	s6 =	simm.s32 @!p1 $0x1082;
	[sflag:s4] =	ssyncset.s32 $0xFFFFF086  }
0x25: {  	[simem:s6], [sflag:s4] =	dma.local [hbm:s3], $0xF7A  }
0x26: {  	[smem:$0x3F9B] =	sst s1;
	(tag) =	ssettag s2;
	_ =	strace s9  }
0x27: {  	s1 =	sld [smem:$0x3FAB]  }
0x28: {  	s2 =	sld [smem:$0x3FAC]  }
0x29: {  	s4 =	sld [smem:$0x3FAE]  }
0x2a: {  	p0 =	seq.s32 s5, $0x0;
	s5 =	sld [smem:$0x3FAF]  }
0x2b: {  	s6 =	sld [smem:$0x3FB0]  }
0x2c: {  	s7 =	sld [smem:$0x3FB1]  }
0x2d: {  	s3 =	simm.s32 $0x108;
	s8 =	sld [smem:$0x3FB2]  }
0x2e: {  	s3 =	simm.s32 @!p0 $0x1082;
	s9 =	sld [smem:$0x3FB3]  }
0x2f: {  	lr =	sadd.s32 s0, s3;
	s0 =	sld [smem:$0x3FAA]  }
0x30: {  	s3 =	sld [smem:$0x3FAD]  }
0x31: {  	[smem:$0x3FB6] =	sst s10  }
0x32: {  	s10 =	sld [smem:$0x3FB4];
	_ =	sdelay $0x3  }
0x33: {  	p0 =	seq.s32 s10, $0x1;
	s10 =	sld [smem:$0x3FB6];
	_ =	sdelay $0x3  }
0x34: {  	[smem:$0x3FB6] =	sst s10  }
0x35: {  	s10 =	sld [smem:$0x3FB5];
	_ =	sdelay $0x3  }
0x36: {  	p1 =	seq.s32 s10, $0x1;
	s10 =	sld [smem:$0x3FB6];
	_ =	sdelay $0x3  }
0x37: {  	[smem:$0x3FB6] =	sst s10  }
0x38: {  	s10 =	sld [smem:$0x3FB7]  }
0x39: {  	_ = 	snop;
	(pc) =	sbr.ind lr, $3  }
0x3a: {  	_ = 	snop  }
0x3b: {  	_ = 	snop  }
0x3c: {  	p2 =	seq.s32 s10, $0x1;
	s10 =	sld [smem:$0x3FB6]  }
0x3d: {  	_ =	shalt  }
0x3e: {  	_ =	shalt  }
0x3f: {  	_ =	shalt  }
0x40: {  	_ =	shalt  }
0x41: {  	_ =	shalt  }
0x42: {  	_ =	shalt  }
0x43: {  	_ =	shalt  }
0x44: {  	_ =	shalt  }
0x45: {  	_ =	shalt  }
0x46: {  	_ =	shalt  }
0x47: {  	_ =	shalt  }
0x48: {  	_ =	shalt  }
0x49: {  	_ =	shalt  }
0x4a: {  	_ =	shalt  }
0x4b: {  	_ =	shalt  }
0x4c: {  	_ =	shalt  }
0x4d: {  	_ =	shalt  }
0x4e: {  	_ =	shalt  }
0x4f: {  	_ =	shalt  }
0x50: {  	_ =	shalt  }
0x51: {  	_ =	shalt  }
0x52: {  	_ =	shalt  }
0x53: {  	_ =	shalt  }
0x54: {  	_ =	shalt  }
0x55: {  	_ =	shalt  }
0x56: {  	_ =	shalt  }
0x57: {  	_ =	shalt  }
0x58: {  	_ =	shalt  }
0x59: {  	_ =	shalt  }
0x5a: {  	_ =	shalt  }
0x5b: {  	_ =	shalt  }
0x5c: {  	_ =	shalt  }
0x5d: {  	_ =	shalt  }
0x5e: {  	_ =	shalt  }
0x5f: {  	_ =	shalt  }
0x60: {  	_ =	shalt  }
0x61: {  	_ =	shalt  }
0x62: {  	_ =	shalt  }
0x63: {  	_ =	shalt  }
0x64: {  	_ =	shalt  }
0x65: {  	_ =	shalt  }
0x66: {  	_ =	shalt  }
0x67: {  	_ =	shalt  }
0x68: {  	_ =	shalt  }
0x69: {  	_ =	shalt  }
0x6a: {  	_ =	shalt  }
0x6b: {  	_ =	shalt  }
0x6c: {  	_ =	shalt  }
0x6d: {  	_ =	shalt  }
0x6e: {  	_ =	shalt  }
0x6f: {  	_ =	shalt  }
0x70: {  	_ =	shalt  }
0x71: {  	_ =	shalt  }
0x72: {  	_ =	shalt  }
0x73: {  	_ =	shalt  }
0x74: {  	_ =	shalt  }
0x75: {  	_ =	shalt  }
0x76: {  	_ =	shalt  }
0x77: {  	_ =	shalt  }
0x78: {  	_ =	shalt  }
0x79: {  	_ =	shalt  }
0x7a: {  	_ =	shalt  }
0x7b: {  	_ =	shalt  }
0x7c: {  	_ =	shalt  }
0x7d: {  	_ =	shalt  }
0x7e: {  	_ =	shalt  }
0x7f: {  	_ =	shalt  }
0x80: {  	_ =	shalt  }
0x81: {  	_ =	shalt  }
0x82: {  	_ =	shalt  }
0x83: {  	_ =	shalt  }
0x84: {  	_ =	shalt  }
0x85: {  	_ =	shalt  }
0x86: {  	_ =	shalt  }
0x87: {  	_ =	shalt  }
.Lfunc_end0:
.L_simem_size_0:
called_computation_lowered:
.L_overlay_start_0:
0x88: {  	s2 =	sld [smem:$0x3FD9]  }
0x89: {  	s3 =	sld [smem:$0x3FFE];
	_ =	sdelay $0x1  }
0x8a: {  	s1 =	srdreg.scid  }
0x8b: {  	s0 =	sand.u32 $0x1, s1  }
0x8c: {  	s14 =	sshll.u32 s0, $0xA;
	s2 =	sadd.s32 s3, s2  }
0x8d: {  	s2 =	sadd.s32 s2, s14  }
0x8e: {  	[smem:$0x3FC2] =	sst s2  }
0x8f: {  	_ = 	snop  }
0x90: {  	s2 =	sld [smem:$0x3FD0];
	_ =	sdelay $0x2  }
0x91: {  	s15 =	simm.s32 $0xA;
	s4 =	simm.s32 $0x10  }
0x92: {  	[smem:s4], [sflag:s15] =	dma.local [hbm:s2], $0x1  }
0x93: {  	_ =	swait.eq [sflag:s15], $0x1  }
0x94: {  	[sflag:s15] =	ssyncset.done $0x0  }
0x95: {  	[sflag:s15] =	ssyncadd.s32 $0xFFFFFFFF  }
0x96: {  	s16 =	sld [smem:$0x11];
	(tm) =	ssettm $0x1  }
0x97: {  	s17 =	sld [smem:$0x3FFB];
	_ =	sdelay $0x3  }
0x98: {  	_ =	strace s17  }
0x99: {  	s3 =	sld [smem:$0x3FFC];
	_ =	sdelay $0x3  }
0x9a: {  	_ =	strace s3  }
0x9b: {  	s3 =	sld [smem:$0x3FFD];
	_ =	sdelay $0x3  }
0x9c: {  	_ =	strace s3  }
0x9d: {  	_ =	strace $0x8FFFFFFF  }
0x9e: {  	s18 =	sld [smem:$0x3FDB];
	_ =	sdelay $0x1  }
0x9f: {  	s19 =	simm.s32 $_scs_section_size  }
0xa0: {  	s5 =	simm.s32 $_size__tile_overlayer_lowered;
	s6 =	simm.s32 $_tile_overlayer_lowered  }
0xa1: {  	s22 =	simm.s32 $0x1BFF;
	s21 =	sshll.u32 s6, $0x1;
	s3 =	sadd.s32 s19, s18  }
0xa2: {  	s7 =	simm.s32 $0x0;
	s20 =	sshll.u32 s5, $0x1;
	s5 =	sadd.s32 s21, s3  }
0xa3: {  	[timem:s7], [sflag:s22] =	dma.local [hbm:s5], s20  }
0xa4: {  	_ =	swait.ge [sflag:s22], s20  }
0xa5: {  	s4 =	ssub.s32 $0x0, s20;
	[sflag:s22] =	ssyncset.done $0x0  }
0xa6: {  	[sflag:s22] =	ssyncadd.s32 s4;
	_ =	sdelay $0x1  }
0xa7: {  	s23 =	simm.s32 $0x1B8B  }
0xa8: {  	_ =	swait.ge [sflag:s23], $0x1  }
0xa9: {  	[sflag:s23] =	ssyncset.done $0x0  }
0xaa: {  	s25 =	simm.s32 $0x1B8E;
	s24 =	sld [smem:$0x3FFE];
	[sflag:s23] =	ssyncadd.s32 $0xFFFFFFFF  }
0xab: {  	s26 =	simm.s32 $execute0_lowered;
	[smem:$0x3FD2] =	sst s25  }
0xac: {  	s5 =	sshll.u32 s26, $0x1;
	_ =	strace $0x80000046;
	[dreg:$0x1] =	wrdreg $0xFFFFFFFF  }
0xad: {  	s28 =	simm.s32 $_size_execute0_lowered;
	s3 =	sadd.s32 s3, s5;
	[dreg:$0x0] =	wrdreg $0x0  }
0xae: {  	s5 =	sshll.u32 s28, $0x1;
	[dreg:$0x2] =	wrdreg s3  }
0xaf: {  	[dreg:$0x3] =	wrdreg s5  }
0xb0: {  	[dreg:$0x4] =	wrdreg $0xC0  }
0xb1: {  	_ =	task [dreg:s7], $0x5FFFF  }
0xb2: {  	[dreg:$0x1] =	wrdreg $0xFFFFFFFF  }
0xb3: {  	[dreg:$0x0] =	wrdreg $0x60  }
0xb4: {  	[dreg:$0x2] =	wrdreg s24  }
0xb5: {  	[dreg:$0x3] =	wrdreg s16  }
0xb6: {  	[dreg:$0x4] =	wrdreg $0x9  }
0xb7: {  	_ =	task.clear_ibuf [dreg:s7], $0x5FFFF;
	_ =	strace $0x90000046  }
0xb8: {  	s29 =	simm.s32 $0x9;
	_ =	strace $0x80000048  }
0xb9: {  	_ =	swait.ge [sflag:s29], $0x1  }
0xba: {  	[sflag:s29] =	ssyncadd.s32 $0xFFFFFFFF  }
0xbb: {  	_ =	strace $0x90000048  }
0xbc: {  	_ =	sfence  }
0xbd: {  	s30 =	sld [smem:$0x0];
	_ =	sdelay $0x2  }
0xbe: {  	s31 =	sshll.u32 s1, $0xD;
	s1 =	sshrl.u32 s1, $0x2  }
0xbf: {  	s3 =	sand.u32 $0x4000, s31;
	s1 =	sadd.s32 s1, s30  }
0xc0: {  	s0 =	sor.u32 s3, s0;
	s1 =	sshll.u32 s1, $0x11  }
0xc1: {  	s0 =	sor.u32 s1, s0  }
0xc2: {  	s0 =	sadd.s32 $0x8F2B, s0  }
0xc3: {  	[sflag:s0] =	ssyncadd.remote.s32 $0x1  }
0xc4: {  	_ =	sfence.sel $0xFFFF  }
0xc5: {  	[dreg:$0x0] =	wrdreg $0xFFFFFFFF;
	(pc) =	sbr.abs _section_cstart, $3  }
0xc6: {  	[dreg:$0x1] =	wrdreg $0xFFFFFFFF  }
0xc7: {  	_ =	task.clear_ibuf [dreg:s7], $0x2FFFF;
	_ =	strace $0x9FFFFFFF  }
0xc8: {  	(tm) =	ssettm $0x7FFFFFFF  }
0xc9: {  	_ =	shalt  }
tec
execute0_lowered:
.L_overlay_start_1:
0x0: {  	(tag) =	ssettag $0x1  }
0x1: {  	s3 =	rddreg [dreg:$0x0]  }
0x2: {  	s1 =	srdreg.scid;
	s0 =	stileid.u32  }
0x3: {  	s4 =	rddreg [dreg:$0x1];
	s5 =	sand.u32 $0x1, s1;
	s2 =	sshll.u32 s0, $0x1  }
0x4: {  	s1 =	rddreg [dreg:$0x2];
	s6 =	sor.u32 s5, s2  }
0x5: {  	s2 =	simm.s32 $0x0;
	s5 =	ssub.s32 $0x2, s5;
	s7 =	smul.u32 $0x271, s6  }
0x6: {  	[smem:$0x7FF] =	sst s2;
	s8 =	sshrl.u32 s5, $0x1;
	s6 =	smul.u32 $0x4E2, s6  }
0x7: {  	_ =	strace $0x80000047;
	s5 =	ssub.s32 s5, s8;
	s8 =	simm.s32 $0x0  }
0x8: {  	s3 =	sadd.s32 s7, s3;
	s4 =	sadd.s32 s4, s6;
	s5 =	smax.u32 s5, $0x1  }
0x9: {  	v0 =	vimm.f32 $0.0e+00;
	v1 =	vimm.f32 $1.000000000e+00;
	s6 =	simm.s32 $0x1;
	s7 =	simm.s32 $0x1390;
	s3 =	sadd.s32 $0x800, s3  }
.LBB2_1:
0xa: {  	s9 =	simm.s32 $0x40;
	s10 =	simm.s32 $0x0  }
.LBB2_2:
0xb: {  	p0 =	sne.s32 s9, $0x9C00;
	[tilespmem:s10+$0x1390] =	vst v0;
	s10 =	smov.u32 s9;
	s9 =	sadd.s32 $0x40, s9  }
.Ltmp0:
0xc: {  	(pc) =	sbr.rel @p0 .LBB2_2-.Ltmp0, $2  }
0xd: {  	_ =	sdelay $0x2  }
0xe: {  	s10 =	sshra.s32 s10, $0x2  }
0xf: {  	[tilespmem:s10+$0x1390] =	vst v0;
	s9 =	simm.s32 $0x0  }
0x10: {  	[tilespmem:s9], [sflag:$0x1] =	stream.linear.gather [hbm4b:s3+s9], $0x1388, $0x38;
	[tilespmem:$0x3AA0] =	vst v63  }
0x11: {  	_ =	swait.ge [sflag:s6], $0x1388  }
0x12: {  	[sflag:s6] =	ssyncset.done $0x0  }
0x13: {  	s10 =	simm.s32 $0x0;
	s9 =	simm.s32 $0x40;
	[sflag:s6] =	ssyncadd.s32 $0xFFFFEC78  }
.LBB2_4:
0x14: {  	p0 =	sne.s32 s9, $0x4DC0;
	v2 =	vld [tilespmem:s10+$0x0];
	_ =	sdelay $0x3  }
.Ltmp1:
0x15: {  	(pc) =	sbr.rel @p0 .LBB2_4-.Ltmp1, $2  }
0x16: {  	_ =	sdelay $0x2  }
0x17: {  	s10 =	sshra.s32 s9, $0x2;
	s9 =	sadd.s32 $0x40, s9;
	[tilespmem:v2+s7+$0x0] =	vst.idx.add.f32.msk $0xffff, v1  }
0x18: {  	v2 =	vld [tilespmem:s10+$0x0];
	_ =	sdelay $0x7  }
0x19: {  	[tilespmem:v2+s7+$0x0] =	vst.idx.add.f32.msk $0xffff, v1  }
0x1a: {  	v2 =	vld [tilespmem:$0x1380];
	_ =	sdelay $0x4  }
0x1b: {  	vm0 =	vgt.s32 v2, $0x0  }
0x1c: {  	v2 =	vnsel vm0, $0x0, v2  }
0x1d: {  	v2 =	vmin.u32 v2, $0x270F;
	_ =	sdelay $0x2  }
0x1e: {  	s8 =	sadd.s32 $0x1, s8  }
0x1f: {  	p0 =	sne.s32 s8, s5  }
.Ltmp2:
0x20: {  	[tilespmem:v2+s7+$0x0] =	vst.idx.add.f32.msk $0xff, v1;
	(pc) =	sbr.rel @p0 .LBB2_1-.Ltmp2, $4  }
0x21: {  	[hbm4b:s4+s2] =	stream.linear.scatter [tilespmem:s7], [sflag:$0x1], $0x2710, $0x38;
	[tilespmem:$0x3AA0] =	vst v63  }
0x22: {  	_ =	swait.ge [sflag:s6], $0x2710  }
0x23: {  	[sflag:s6] =	ssyncset.done $0x0  }
0x24: {  	[sflag:s6] =	ssyncadd.s32 $0xFFFFD8F0  }
0x25: {  	_ =	sfence.sel $0x180000  }
0x26: {  	[bflag:$0x0] =	sbarrier.arrive $0xFFFF  }
0x27: {  	p0 =	sne.s32 s0, $0x0;
	_ =	strace $0x90000047  }
0x28: {  	s0 =	sadd.s32 @!p0 $0x100000, s1;
	[bflag:$0x2] =	sbarrier.arrive $0xFFFF  }
0x29: {  	[sflag:s0] =	ssyncadd.tile.s32 @!p0 $0x1;
	_ =	shalt  }
.Lfunc_end2:
_tile_overlayer_lowered:
.L_overlay_start_2:
0x2a: {  	(tag) =	ssettag $0x2  }
0x2b: {  	s0 =	rddreg [dreg:$0x0];
	s2 =	stileid.u32  }
0x2c: {  	s1 =	rddreg [dreg:$0x1];
	p0 =	sne.s32 s2, $0x0  }
0x2d: {  	s3 =	rddreg [dreg:$0x2];
	[bflag:$0x3] =	sbarrier.arrive $0xFFFF;
	s2 =	simm.s32 @!p0 $0x1C01  }
0x2e: {  	[timem:s3], [sflag:s2] =	dma.local @!p0 [hbm:s0], s1  }
0x2f: {  	s0 =	simm.s32 @!p0 $0x1  }
0x30: {  	_ =	swait.ge @!p0 [sflag:s0], s1  }
0x31: {  	s1 =	ssub.s32 @!p0 $0x0, s1;
	[sflag:s0] =	ssyncset.done @!p0 $0x0  }
0x32: {  	[sflag:s0] =	ssyncadd.s32 @!p0 s1  }
0x33: {  	[bflag:$0x3] =	sbarrier.arrive $0xFFFF  }
0x34: {  	_ =	shalt  }

// kernel: kernel.9.cloned.1.call-start
scs
__scs_entry_jumppad:
0x0: {  	(pc) =	sbr.rel $0x88, $3  }
0x1: {  	(tag) =	ssettag $0x0;
	lr =	simm.s32 $0x1  }
0x2: {  	[smem:$0x3F9B] =	sst lr;
	_ =	strace $0xD0000000  }
0x3: {  	_ = 	snop  }
0x4: {  	_ = 	snop  }
0x5: {  	_ = 	snop  }
0x6: {  	_ = 	snop  }
0x7: {  	_ = 	snop  }
__scs_overlays_trampoline_lowered:
0x8: {  	[smem:$0x3FAA] =	sst s0  }
0x9: {  	[smem:$0x3FAB] =	sst s1  }
0xa: {  	[smem:$0x3FAC] =	sst s2  }
0xb: {  	[smem:$0x3FAD] =	sst s3  }
0xc: {  	[smem:$0x3FAE] =	sst s4  }
0xd: {  	[smem:$0x3FAF] =	sst s5  }
0xe: {  	[smem:$0x3FB0] =	sst s6  }
0xf: {  	[smem:$0x3FB1] =	sst s7  }
0x10: {  	[smem:$0x3FB2] =	sst s8  }
0x11: {  	[smem:$0x3FB3] =	sst s9;
	s0 =	simm.s32 @!p0 $0x0  }
0x12: {  	s1 =	sld [smem:$0x3F99];
	s0 =	simm.s32 @p0 $0x1  }
0x13: {  	[smem:$0x3FB4] =	sst s0;
	s0 =	simm.s32 @!p1 $0x0  }
0x14: {  	s2 =	sld [smem:$0x3F98];
	s0 =	simm.s32 @p1 $0x1  }
0x15: {  	[smem:$0x3FB5] =	sst s0;
	s0 =	simm.s32 @!p2 $0x0  }
0x16: {  	s3 =	sld [smem:$0x3FDB];
	s0 =	simm.s32 @p2 $0x1  }
0x17: {  	s4 =	simm.s32 $0x1BF5;
	[smem:$0x3FB7] =	sst s0  }
0x18: {  	s0 =	sld [smem:$0x3F9A];
	_ =	swait.ge [sflag:s4], $0x0  }
0x19: {  	s7 =	sld [smem:$0x3F9B]  }
0x1a: {  	s8 =	sadd.s32 $0xFFFFE003, lr  }
0x1b: {  	s9 =	sadd.s32 $0xFFFFFEF7, lr;
	s5 =	simm.s32 $0xFFFFFFFF;
	p2 =	slt.u32 s8, $0xFFFFF086  }
0x1c: {  	p1 =	slt.u32 s9, $0xF7A;
	s5 =	simm.s32 @!p2 $0x0  }
0x1d: {  	s5 =	simm.s32 @p1 $0x1;
	p0 =	seq.s32 s7, s2  }
0x1e: {  	s7 =	smul.u32 @!p0 $0xF7A, s2;
	p2 =	seq.s32 @!p0 s5, $0x0  }
0x1f: {  	s9 =	smul.u32 $0xF7A, s1;
	s8 =	simm.s32 @!p0 $0x1BF5;
	p2 =	por !p2, p0  }
0x20: {  	[sflag:s8] =	ssyncset.s32 @!p0 $0xFFFFF086;
	s6 =	sadd.s32 @!p0 s3, s7;
	s7 =	simm.s32 @!p0 $0x108  }
0x21: {  	s3 =	sadd.s32 s3, s9;
	s6 =	sadd.s32 @!p0 $0x88, s6;
	s7 =	simm.s32 @p2 $0x1082  }
0x22: {  	[simem:s7], [sflag:s8] =	dma.local @!p0 [hbm:s6], $0xF7A  }
0x23: {  	s9 =	sor.u32 $0xD0000000, s2;
	s6 =	simm.s32 $0x108;
	_ =	swait.ge @!p0 [sflag:s8], $0x0  }
0x24: {  	s3 =	sadd.s32 $0x88, s3;
	s6 =	simm.s32 @!p1 $0x1082;
	[sflag:s4] =	ssyncset.s32 $0xFFFFF086  }
0x25: {  	[simem:s6], [sflag:s4] =	dma.local [hbm:s3], $0xF7A  }
0x26: {  	[smem:$0x3F9B] =	sst s1;
	(tag) =	ssettag s2;
	_ =	strace s9  }
0x27: {  	s1 =	sld [smem:$0x3FAB]  }
0x28: {  	s2 =	sld [smem:$0x3FAC]  }
0x29: {  	s4 =	sld [smem:$0x3FAE]  }
0x2a: {  	p0 =	seq.s32 s5, $0x0;
	s5 =	sld [smem:$0x3FAF]  }
0x2b: {  	s6 =	sld [smem:$0x3FB0]  }
0x2c: {  	s7 =	sld [smem:$0x3FB1]  }
0x2d: {  	s3 =	simm.s32 $0x108;
	s8 =	sld [smem:$0x3FB2]  }
0x2e: {  	s3 =	simm.s32 @!p0 $0x1082;
	s9 =	sld [smem:$0x3FB3]  }
0x2f: {  	lr =	sadd.s32 s0, s3;
	s0 =	sld [smem:$0x3FAA]  }
0x30: {  	s3 =	sld [smem:$0x3FAD]  }
0x31: {  	[smem:$0x3FB6] =	sst s10  }
0x32: {  	s10 =	sld [smem:$0x3FB4];
	_ =	sdelay $0x3  }
0x33: {  	p0 =	seq.s32 s10, $0x1;
	s10 =	sld [smem:$0x3FB6];
	_ =	sdelay $0x3  }
0x34: {  	[smem:$0x3FB6] =	sst s10  }
0x35: {  	s10 =	sld [smem:$0x3FB5];
	_ =	sdelay $0x3  }
0x36: {  	p1 =	seq.s32 s10, $0x1;
	s10 =	sld [smem:$0x3FB6];
	_ =	sdelay $0x3  }
0x37: {  	[smem:$0x3FB6] =	sst s10  }
0x38: {  	s10 =	sld [smem:$0x3FB7]  }
0x39: {  	_ = 	snop;
	(pc) =	sbr.ind lr, $3  }
0x3a: {  	_ = 	snop  }
0x3b: {  	_ = 	snop  }
0x3c: {  	p2 =	seq.s32 s10, $0x1;
	s10 =	sld [smem:$0x3FB6]  }
0x3d: {  	_ =	shalt  }
0x3e: {  	_ =	shalt  }
0x3f: {  	_ =	shalt  }
0x40: {  	_ =	shalt  }
0x41: {  	_ =	shalt  }
0x42: {  	_ =	shalt  }
0x43: {  	_ =	shalt  }
0x44: {  	_ =	shalt  }
0x45: {  	_ =	shalt  }
0x46: {  	_ =	shalt  }
0x47: {  	_ =	shalt  }
0x48: {  	_ =	shalt  }
0x49: {  	_ =	shalt  }
0x4a: {  	_ =	shalt  }
0x4b: {  	_ =	shalt  }
0x4c: {  	_ =	shalt  }
0x4d: {  	_ =	shalt  }
0x4e: {  	_ =	shalt  }
0x4f: {  	_ =	shalt  }
0x50: {  	_ =	shalt  }
0x51: {  	_ =	shalt  }
0x52: {  	_ =	shalt  }
0x53: {  	_ =	shalt  }
0x54: {  	_ =	shalt  }
0x55: {  	_ =	shalt  }
0x56: {  	_ =	shalt  }
0x57: {  	_ =	shalt  }
0x58: {  	_ =	shalt  }
0x59: {  	_ =	shalt  }
0x5a: {  	_ =	shalt  }
0x5b: {  	_ =	shalt  }
0x5c: {  	_ =	shalt  }
0x5d: {  	_ =	shalt  }
0x5e: {  	_ =	shalt  }
0x5f: {  	_ =	shalt  }
0x60: {  	_ =	shalt  }
0x61: {  	_ =	shalt  }
0x62: {  	_ =	shalt  }
0x63: {  	_ =	shalt  }
0x64: {  	_ =	shalt  }
0x65: {  	_ =	shalt  }
0x66: {  	_ =	shalt  }
0x67: {  	_ =	shalt  }
0x68: {  	_ =	shalt  }
0x69: {  	_ =	shalt  }
0x6a: {  	_ =	shalt  }
0x6b: {  	_ =	shalt  }
0x6c: {  	_ =	shalt  }
0x6d: {  	_ =	shalt  }
0x6e: {  	_ =	shalt  }
0x6f: {  	_ =	shalt  }
0x70: {  	_ =	shalt  }
0x71: {  	_ =	shalt  }
0x72: {  	_ =	shalt  }
0x73: {  	_ =	shalt  }
0x74: {  	_ =	shalt  }
0x75: {  	_ =	shalt  }
0x76: {  	_ =	shalt  }
0x77: {  	_ =	shalt  }
0x78: {  	_ =	shalt  }
0x79: {  	_ =	shalt  }
0x7a: {  	_ =	shalt  }
0x7b: {  	_ =	shalt  }
0x7c: {  	_ =	shalt  }
0x7d: {  	_ =	shalt  }
0x7e: {  	_ =	shalt  }
0x7f: {  	_ =	shalt  }
0x80: {  	_ =	shalt  }
0x81: {  	_ =	shalt  }
0x82: {  	_ =	shalt  }
0x83: {  	_ =	shalt  }
0x84: {  	_ =	shalt  }
0x85: {  	_ =	shalt  }
0x86: {  	_ =	shalt  }
0x87: {  	_ =	shalt  }
.Lfunc_end0:
.L_simem_size_0:
called_computation.1_lowered:
.L_overlay_start_0:
0x88: {  	s2 =	sld [smem:$0x3FD9]  }
0x89: {  	s3 =	sld [smem:$0x3FFE];
	_ =	sdelay $0x1  }
0x8a: {  	s1 =	srdreg.scid  }
0x8b: {  	s0 =	sand.u32 $0x1, s1  }
0x8c: {  	s14 =	sshll.u32 s0, $0xA;
	s2 =	sadd.s32 s3, s2  }
0x8d: {  	s2 =	sadd.s32 s2, s14  }
0x8e: {  	[smem:$0x3FC2] =	sst s2  }
0x8f: {  	_ = 	snop  }
0x90: {  	s2 =	sld [smem:$0x3FD0];
	_ =	sdelay $0x2  }
0x91: {  	s15 =	simm.s32 $0xA;
	s4 =	simm.s32 $0x10  }
0x92: {  	[smem:s4], [sflag:s15] =	dma.local [hbm:s2], $0x1  }
0x93: {  	_ =	swait.eq [sflag:s15], $0x1  }
0x94: {  	[sflag:s15] =	ssyncset.done $0x0  }
0x95: {  	[sflag:s15] =	ssyncadd.s32 $0xFFFFFFFF  }
0x96: {  	s16 =	sld [smem:$0x10];
	(tm) =	ssettm $0x1  }
0x97: {  	s17 =	sld [smem:$0x3FFB];
	_ =	sdelay $0x3  }
0x98: {  	_ =	strace s17  }
0x99: {  	s3 =	sld [smem:$0x3FFC];
	_ =	sdelay $0x3  }
0x9a: {  	_ =	strace s3  }
0x9b: {  	s3 =	sld [smem:$0x3FFD];
	_ =	sdelay $0x3  }
0x9c: {  	_ =	strace s3  }
0x9d: {  	_ =	strace $0x8FFFFFFF  }
0x9e: {  	s18 =	sld [smem:$0x3FDB];
	_ =	sdelay $0x1  }
0x9f: {  	s19 =	simm.s32 $_scs_section_size  }
0xa0: {  	s5 =	simm.s32 $_size__tile_overlayer_lowered;
	s6 =	simm.s32 $_tile_overlayer_lowered  }
0xa1: {  	s22 =	simm.s32 $0x1BFF;
	s21 =	sshll.u32 s6, $0x1;
	s3 =	sadd.s32 s19, s18  }
0xa2: {  	s7 =	simm.s32 $0x0;
	s20 =	sshll.u32 s5, $0x1;
	s5 =	sadd.s32 s21, s3  }
0xa3: {  	[timem:s7], [sflag:s22] =	dma.local [hbm:s5], s20  }
0xa4: {  	_ =	swait.ge [sflag:s22], s20  }
0xa5: {  	s4 =	ssub.s32 $0x0, s20;
	[sflag:s22] =	ssyncset.done $0x0  }
0xa6: {  	[sflag:s22] =	ssyncadd.s32 s4;
	_ =	sdelay $0x1  }
0xa7: {  	s23 =	simm.s32 $0x1B8B  }
0xa8: {  	_ =	swait.ge [sflag:s23], $0x1  }
0xa9: {  	[sflag:s23] =	ssyncset.done $0x0  }
0xaa: {  	s25 =	simm.s32 $0x1B8E;
	s24 =	sld [smem:$0x3FFE];
	[sflag:s23] =	ssyncadd.s32 $0xFFFFFFFF  }
0xab: {  	s26 =	simm.s32 $execute0_lowered;
	[smem:$0x3FD2] =	sst s25  }
0xac: {  	s5 =	sshll.u32 s26, $0x1;
	_ =	strace $0x80000049;
	[dreg:$0x1] =	wrdreg $0xFFFFFFFF  }
0xad: {  	s28 =	simm.s32 $_size_execute0_lowered;
	s3 =	sadd.s32 s3, s5;
	[dreg:$0x0] =	wrdreg $0x0  }
0xae: {  	s5 =	sshll.u32 s28, $0x1;
	[dreg:$0x2] =	wrdreg s3  }
0xaf: {  	[dreg:$0x3] =	wrdreg s5  }
0xb0: {  	[dreg:$0x4] =	wrdreg $0xC0  }
0xb1: {  	_ =	task [dreg:s7], $0x5FFFF  }
0xb2: {  	[dreg:$0x1] =	wrdreg $0xFFFFFFFF  }
0xb3: {  	[dreg:$0x0] =	wrdreg $0x60  }
0xb4: {  	[dreg:$0x2] =	wrdreg s24  }
0xb5: {  	[dreg:$0x3] =	wrdreg s16  }
0xb6: {  	[dreg:$0x4] =	wrdreg $0xA0000  }
0xb7: {  	[dreg:$0x5] =	wrdreg $0x9  }
0xb8: {  	_ =	task.clear_ibuf [dreg:s7], $0x6FFFF;
	_ =	strace $0x90000049  }
0xb9: {  	s29 =	simm.s32 $0x9;
	_ =	strace $0x8000004B  }
0xba: {  	_ =	swait.ge [sflag:s29], $0x1  }
0xbb: {  	[sflag:s29] =	ssyncadd.s32 $0xFFFFFFFF  }
0xbc: {  	_ =	strace $0x9000004B  }
0xbd: {  	_ =	sfence  }
0xbe: {  	s30 =	sld [smem:$0x0];
	_ =	sdelay $0x2  }
0xbf: {  	s31 =	sshll.u32 s1, $0xD;
	s1 =	sshrl.u32 s1, $0x2  }
0xc0: {  	s3 =	sand.u32 $0x4000, s31;
	s1 =	sadd.s32 s1, s30  }
0xc1: {  	s0 =	sor.u32 s3, s0;
	s1 =	sshll.u32 s1, $0x11  }
0xc2: {  	s0 =	sor.u32 s1, s0  }
0xc3: {  	s0 =	sadd.s32 $0x8F2B, s0  }
0xc4: {  	[sflag:s0] =	ssyncadd.remote.s32 $0x1  }
0xc5: {  	_ =	sfence.sel $0xFFFF  }
0xc6: {  	[dreg:$0x0] =	wrdreg $0xFFFFFFFF;
	(pc) =	sbr.abs _section_cstart, $3  }
0xc7: {  	[dreg:$0x1] =	wrdreg $0xFFFFFFFF  }
0xc8: {  	_ =	task.clear_ibuf [dreg:s7], $0x2FFFF;
	_ =	strace $0x9FFFFFFF  }
0xc9: {  	(tm) =	ssettm $0x7FFFFFFF  }
tec
execute0_lowered:
.L_overlay_start_1:
0x0: {  	(tag) =	ssettag $0x1  }
0x1: {  	s0 =	rddreg [dreg:$0x0]  }
0x2: {  	s2 =	rddreg [dreg:$0x1]  }
0x3: {  	s1 =	rddreg [dreg:$0x2];
	s3 =	simm.s32 $0x0;
	s13 =	stileid.u32  }
0x4: {  	s4 =	srdreg.scid;
	s30 =	simm.s32 $0x7;
	s5 =	smul.u32 $0x4E2, s13  }
0x5: {  	[smem:$0x7FF] =	sst s3;
	s4 =	sand.u32 $0x1, s4;
	s9 =	smul.u32 $0x271, s13  }
0x6: {  	s6 =	sadd.s32 $0x5800, s0;
	s8 =	sadd.s32 $0x800, s0;
	s16 =	smul.u32 $0x4E200, s13  }
0x7: {  	s0 =	sadd.s32 $0xA1C00, s0;
	s18 =	smul.u32 $0x2710, s13;
	s13 =	simm.s32 $0x0  }
0x8: {  	_ =	strace $0x8000004A;
	s7 =	ssub.s32 $0x2, s4;
	s11 =	smul.u32 $0x4E20, s4  }
0x9: {  	s4 =	smul.u32 $0x4E200, s4;
	s10 =	sshrl.u32 s7, $0x1;
	s2 =	sadd.s32 s2, s5  }
0xa: {  	s31 =	sadd.s32 s8, s5;
	s5 =	simm.s32 $0x3;
	s12 =	ssub.s32 s7, s10  }
0xb: {  	[dreg:$0x4] =	wrdreg s2;
	s17 =	sadd.s32 s9, s11;
	s7 =	sshrl.u32 s16, $0x2  }
0xc: {  	s10 =	sshrl.u32 s18, $0x3;
	s21 =	sadd.s32 $0x2710, s11;
	s18 =	simm.s32 $0xA  }
0xd: {  	s2 =	sshll.u32 s17, $0x4;
	s7 =	sadd.s32 s7, s1;
	s20 =	sadd.s32 s8, s10  }
0xe: {  	s23 =	sadd.s32 s9, s21;
	s29 =	smax.u32 s12, $0x1;
	[dreg:$0x5] =	wrdreg s7  }
0xf: {  	s28 =	sshll.u32 s21, $0x4;
	s19 =	sadd.s32 s6, s2;
	[dreg:$0xd] =	wrdreg s29  }
0x10: {  	s17 =	sadd.s32 $0x3C, s31;
	s22 =	sadd.s32 $0xA, s20;
	[dreg:$0x6] =	wrdreg s19  }
0x11: {  	s12 =	simm.s32 $0x9;
	s24 =	sadd.s32 $0x14, s20;
	[dreg:$0x7] =	wrdreg s22  }
0x12: {  	s7 =	sadd.s32 s6, s4;
	s4 =	sadd.s32 $0x1E, s20;
	[dreg:$0x8] =	wrdreg s24  }
0x13: {  	s25 =	sshll.u32 s23, $0x4;
	s2 =	sadd.s32 s0, s2;
	[dreg:$0x9] =	wrdreg s4  }
0x14: {  	s14 =	sadd.s32 s6, s28;
	s23 =	simm.s32 $0x2760;
	[dreg:$0xa] =	wrdreg s2  }
0x15: {  	s26 =	sadd.s32 s6, s25;
	s0 =	sadd.s32 s0, s25;
	s19 =	simm.s32 $0x50  }
0x16: {  	s22 =	simm.s32 $0x5000;
	s25 =	simm.s32 $0x7800;
	s2 =	simm.s32 $0x5  }
0x17: {  	s4 =	simm.s32 $0x8;
	s6 =	simm.s32 $0x6;
	[dreg:$0xb] =	wrdreg s26  }
0x18: {  	[dreg:$0xc] =	wrdreg s0;
	s26 =	simm.s32 $0x27B0;
	s0 =	simm.s32 $0x2  }
.LBB2_1:
0x19: {  	s8 =	rddreg [dreg:$0x4];
	s15 =	stileid.u32  }
0x1a: {  	[tilespmem:s3], [sflag:$0xA] =	stream.linear.gather [hbm4b:s8+s3], $0x2710, $0x38;
	[tilespmem:$0x1D880] =	vst v63  }
0x1b: {  	s9 =	sshll.u32 s15, $0x6;
	_ =	swait.ge [sflag:s18], $0x2710  }
0x1c: {  	s15 =	sor.u32 $0x1C0A, s9;
	[sflag:s18] =	ssyncset.done $0x0;
	s16 =	rddreg [dreg:$0x5]  }
0x1d: {  	s20 =	rddreg [dreg:$0x6];
	[sflag:s18] =	ssyncadd.s32 $0xFFFFD8F0;
	s16 =	sshrl.u32 s16, $0x3  }
0x1e: {  	[spmem:s16], [sflag:s15] =	dma.local [hbm:s20], $0x2710  }
0x1f: {  	_ =	swait.ge [sflag:s18], $0x2710  }
0x20: {  	[sflag:s18] =	ssyncset.done $0x0  }
0x21: {  	[sflag:s18] =	ssyncadd.s32 $0xFFFFD8F0  }
0x22: {  	s9 =	simm.s32 $0x2800;
	[bflag:$0x0] =	sbarrier.arrive $0xFFFF  }
0x23: {  	[tilespmem:s9], [sflag:$0x1] =	stream.indirect.gather [hbm4b:s7+s19], $0x80, s3, s19, $0xb8;
	[tilespmem:$0x1D880] =	vst v63  }
0x24: {  	s10 =	simm.s32 $0x2710  }
0x25: {  	[tilespmem:s10], [sflag:$0x4] =	stream.linear.gather [hbm4b:s31+s3], $0x50, $0x38;
	[tilespmem:$0x1D880] =	vst v63  }
0x26: {  	_ = 	snop  }
0x27: {  	[tilespmem:s22], [sflag:$0x2] =	stream.indirect.gather [hbm4b:s7+s19], $0x80, s19, s19, $0xb8;
	[tilespmem:$0x1D880] =	vst v63  }
0x28: {  	s21 =	rddreg [dreg:$0x7]  }
0x29: {  	[tilespmem:s23], [sflag:$0x5] =	stream.linear.gather [hbm4b:s21+s3], $0x50, $0x38;
	[tilespmem:$0x1D880] =	vst v63  }
0x2a: {  	s24 =	simm.s32 $0xA0  }
0x2b: {  	[tilespmem:s25], [sflag:$0x3] =	stream.indirect.gather [hbm4b:s7+s19], $0x80, s24, s19, $0xb8;
	[tilespmem:$0x1D880] =	vst v63  }
0x2c: {  	s11 =	simm.s32 $0x1;
	s28 =	rddreg [dreg:$0x8]  }
0x2d: {  	[tilespmem:s26], [sflag:$0x6] =	stream.linear.gather [hbm4b:s28+s3], $0x50, $0x38;
	[tilespmem:$0x1D880] =	vst v63  }
0x2e: {  	_ =	swait.ge [sflag:s11], $0x2800  }
0x2f: {  	[sflag:s11] =	ssyncset.done $0x0  }
0x30: {  	s20 =	simm.s32 $0x4;
	[sflag:s11] =	ssyncadd.s32 $0xFFFFD800  }
0x31: {  	_ =	swait.ge [sflag:s20], $0x50  }
0x32: {  	[sflag:s20] =	ssyncset.done $0x0  }
0x33: {  	[sflag:s20] =	ssyncadd.s32 $0xFFFFFFB0  }
0x34: {  	[spmem:s1] =	stream.indirect.scatter.add.f32 [tilespmem:s9], [sflag:$0x7], $0x80, s10, s19, $0xb8;
	[tilespmem:$0x1D880] =	vst v63  }
0x35: {  	_ =	swait.ge [sflag:s30], $0x2800  }
0x36: {  	[sflag:s30] =	ssyncset.done $0x0  }
0x37: {  	s21 =	simm.s32 $0xF0;
	[sflag:s30] =	ssyncadd.s32 $0xFFFFD800  }
0x38: {  	[tilespmem:s9], [sflag:$0x1] =	stream.indirect.gather [hbm4b:s7+s19], $0x80, s21, s19, $0xb8;
	[tilespmem:$0x1D880] =	vst v63  }
0x39: {  	s24 =	rddreg [dreg:$0x9]  }
0x3a: {  	[tilespmem:s10], [sflag:$0x4] =	stream.linear.gather [hbm4b:s24+s3], $0x50, $0x38;
	[tilespmem:$0x1D880] =	vst v63  }
0x3b: {  	_ =	swait.ge [sflag:s0], $0x2800  }
0x3c: {  	[sflag:s0] =	ssyncset.done $0x0  }
0x3d: {  	[sflag:s0] =	ssyncadd.s32 $0xFFFFD800  }
0x3e: {  	_ =	swait.ge [sflag:s2], $0x50  }
0x3f: {  	[sflag:s2] =	ssyncset.done $0x0  }
0x40: {  	[sflag:s2] =	ssyncadd.s32 $0xFFFFFFB0  }
0x41: {  	[spmem:s1] =	stream.indirect.scatter.add.f32 [tilespmem:s22], [sflag:$0x8], $0x80, s23, s19, $0xb8;
	[tilespmem:$0x1D880] =	vst v63  }
0x42: {  	_ =	swait.ge [sflag:s4], $0x2800  }
0x43: {  	[sflag:s4] =	ssyncset.done $0x0  }
0x44: {  	s28 =	simm.s32 $0x140;
	[sflag:s4] =	ssyncadd.s32 $0xFFFFD800  }
0x45: {  	[tilespmem:s22], [sflag:$0x2] =	stream.indirect.gather [hbm4b:s7+s19], $0x80, s28, s19, $0xb8;
	[tilespmem:$0x1D880] =	vst v63  }
0x46: {  	s24 =	sadd.s32 $0xFFFFFFEC, s17  }
0x47: {  	[tilespmem:s23], [sflag:$0x5] =	stream.linear.gather [hbm4b:s24+s3], $0x50, $0x38;
	[tilespmem:$0x1D880] =	vst v63  }
0x48: {  	_ =	swait.ge [sflag:s5], $0x2800  }
0x49: {  	[sflag:s5] =	ssyncset.done $0x0  }
0x4a: {  	[sflag:s5] =	ssyncadd.s32 $0xFFFFD800  }
0x4b: {  	_ =	swait.ge [sflag:s6], $0x50  }
0x4c: {  	[sflag:s6] =	ssyncset.done $0x0  }
0x4d: {  	[sflag:s6] =	ssyncadd.s32 $0xFFFFFFB0  }
0x4e: {  	[spmem:s1] =	stream.indirect.scatter.add.f32 [tilespmem:s25], [sflag:$0x9], $0x80, s26, s19, $0xb8;
	[tilespmem:$0x1D880] =	vst v63  }
0x4f: {  	_ =	swait.ge [sflag:s12], $0x2800  }
0x50: {  	p0 =	por $0x0, $0x0;
	[sflag:s12] =	ssyncset.done $0x0  }
0x51: {  	s9 =	simm.s32 @p0 $0x1;
	[sflag:s12] =	ssyncadd.s32 $0xFFFFD800  }
0x52: {  	_ =	swait.ge @p0 [sflag:s9], $0x2800  }
0x53: {  	[sflag:s9] =	ssyncset.done @p0 $0x0  }
0x54: {  	[sflag:s9] =	ssyncadd.s32 @p0 $0xFFFFD800;
	s9 =	simm.s32 @p0 $0x4  }
0x55: {  	s29 =	smov.u32 s31;
	_ =	swait.ge @p0 [sflag:s9], $0x50  }
0x56: {  	s31 =	simm.s32 @p0 $0x2800;
	s11 =	simm.s32 @p0 $0x2710;
	[sflag:s9] =	ssyncset.done @p0 $0x0  }
0x57: {  	s10 =	simm.s32 @p0 $0x7;
	[sflag:s9] =	ssyncadd.s32 @p0 $0xFFFFFFB0;
	s9 =	simm.s32 @p0 $0x50  }
0x58: {  	[spmem:s1] =	stream.indirect.scatter.add.f32 @p0 [tilespmem:s31], [sflag:$0x7], $0x80, s11, s9, $0xb8;
	[tilespmem:$0x1D880] =	vst v63  }
0x59: {  	_ =	swait.ge @p0 [sflag:s10], $0x2800  }
0x5a: {  	s8 =	simm.s32 @!p0 $0x27B0;
	s9 =	simm.s32 @!p0 $0x190;
	[sflag:s10] =	ssyncset.done @p0 $0x0  }
0x5b: {  	s31 =	simm.s32 @!p0 $0x7800;
	[sflag:s10] =	ssyncadd.s32 @p0 $0xFFFFD800;
	s10 =	simm.s32 @!p0 $0x50  }
0x5c: {  	[tilespmem:s31], [sflag:$0x3] =	stream.indirect.gather @!p0 [hbm4b:s7+s10], $0x80, s9, s10, $0xb8;
	[tilespmem:$0x1D880] =	vst v63  }
0x5d: {  	s11 =	simm.s32 @!p0 $0x1;
	s9 =	sadd.s32 @!p0 $0xFFFFFFF6, s17;
	s31 =	simm.s32 @!p0 $0x0  }
0x5e: {  	[tilespmem:s8], [sflag:$0x6] =	stream.linear.gather @!p0 [hbm4b:s9+s31], $0x50, $0x38;
	[tilespmem:$0x1D880] =	vst v63  }
0x5f: {  	_ =	swait.ge @!p0 [sflag:s11], $0x2800  }
0x60: {  	[sflag:s11] =	ssyncset.done @!p0 $0x0  }
0x61: {  	s8 =	simm.s32 @!p0 $0x4;
	[sflag:s11] =	ssyncadd.s32 @!p0 $0xFFFFD800  }
0x62: {  	_ =	swait.ge @!p0 [sflag:s8], $0x50  }
0x63: {  	s9 =	simm.s32 @!p0 $0x7;
	[sflag:s8] =	ssyncset.done @!p0 $0x0  }
0x64: {  	s11 =	simm.s32 @!p0 $0x2800;
	[sflag:s8] =	ssyncadd.s32 @!p0 $0xFFFFFFB0;
	s8 =	simm.s32 @!p0 $0x2710  }
0x65: {  	[spmem:s1] =	stream.indirect.scatter.add.f32 @!p0 [tilespmem:s11], [sflag:$0x7], $0x80, s8, s10, $0xb8;
	[tilespmem:$0x1D880] =	vst v63  }
0x66: {  	_ =	swait.ge @!p0 [sflag:s9], $0x2800  }
0x67: {  	[sflag:s9] =	ssyncset.done @!p0 $0x0  }
0x68: {  	[sflag:s9] =	ssyncadd.s32 @!p0 $0xFFFFD800;
	s9 =	simm.s32 @!p0 $0x1E0  }
0x69: {  	[tilespmem:s11], [sflag:$0x1] =	stream.indirect.gather @!p0 [hbm4b:s7+s10], $0x80, s9, s10, $0xb8;
	[tilespmem:$0x1D880] =	vst v63  }
0x6a: {  	_ = 	snop  }
0x6b: {  	[tilespmem:s8], [sflag:$0x4] =	stream.linear.gather @!p0 [hbm4b:s17+s31], $0x50, $0x38;
	[tilespmem:$0x1D880] =	vst v63  }
0x6c: {  	_ =	swait.ge [sflag:s0], $0x2800  }
0x6d: {  	[sflag:s0] =	ssyncset.done $0x0  }
0x6e: {  	[sflag:s0] =	ssyncadd.s32 $0xFFFFD800  }
0x6f: {  	_ =	swait.ge [sflag:s2], $0x50  }
0x70: {  	[sflag:s2] =	ssyncset.done $0x0  }
0x71: {  	s9 =	sadd.s32 $0x1E, s17;
	s31 =	simm.s32 $0x3C0;
	[sflag:s2] =	ssyncadd.s32 $0xFFFFFFB0  }
.LBB2_2:
0x72: {  	[spmem:s1] =	stream.indirect.scatter.add.f32 [tilespmem:s22], [sflag:$0x8], $0x80, s23, s19, $0xb8;
	[tilespmem:$0x1D880] =	vst v63  }
0x73: {  	s8 =	smov.u32 s31;
	s31 =	sadd.s32 $0x3C0, s31;
	_ =	swait.ge [sflag:s4], $0x2800  }
0x74: {  	s10 =	sshra.s32 s8, $0x2;
	p0 =	sne.s32 s31, $0x99C0;
	[sflag:s4] =	ssyncset.done $0x0  }
0x75: {  	s10 =	sadd.s32 $0x140, s10;
	[sflag:s4] =	ssyncadd.s32 $0xFFFFD800  }
0x76: {  	[tilespmem:s22], [sflag:$0x2] =	stream.indirect.gather [hbm4b:s7+s19], $0x80, s10, s19, $0xb8;
	[tilespmem:$0x1D880] =	vst v63  }
0x77: {  	s10 =	sadd.s32 $0xFFFFFFEC, s9  }
0x78: {  	[tilespmem:s23], [sflag:$0x5] =	stream.linear.gather [hbm4b:s10+s3], $0x50, $0x38;
	[tilespmem:$0x1D880] =	vst v63  }
0x79: {  	_ =	swait.ge [sflag:s5], $0x2800  }
0x7a: {  	[sflag:s5] =	ssyncset.done $0x0  }
0x7b: {  	[sflag:s5] =	ssyncadd.s32 $0xFFFFD800  }
0x7c: {  	_ =	swait.ge [sflag:s6], $0x50  }
0x7d: {  	[sflag:s6] =	ssyncset.done $0x0  }
0x7e: {  	[sflag:s6] =	ssyncadd.s32 $0xFFFFFFB0  }
0x7f: {  	[spmem:s1] =	stream.indirect.scatter.add.f32 [tilespmem:s25], [sflag:$0x9], $0x80, s26, s19, $0xb8;
	[tilespmem:$0x1D880] =	vst v63  }
0x80: {  	_ =	swait.ge [sflag:s12], $0x2800  }
0x81: {  	p1 =	seq.s32 s8, $0x9600;
	[sflag:s12] =	ssyncset.done $0x0  }
0x82: {  	s8 =	sshra.s32 @!p1 s8, $0x2;
	s10 =	simm.s32 @p1 $0x1;
	[sflag:s12] =	ssyncadd.s32 $0xFFFFD800  }
0x83: {  	s11 =	sadd.s32 @!p1 $0x190, s8;
	s8 =	sadd.s32 @!p1 $0x1E0, s8;
	_ =	swait.ge @p1 [sflag:s10], $0x2800  }
0x84: {  	[sflag:s10] =	ssyncset.done @p1 $0x0  }
0x85: {  	[sflag:s10] =	ssyncadd.s32 @p1 $0xFFFFD800;
	s10 =	simm.s32 @p1 $0x4  }
0x86: {  	_ =	swait.ge @p1 [sflag:s10], $0x50  }
0x87: {  	s20 =	simm.s32 @p1 $0x2800;
	s21 =	simm.s32 @p1 $0x7;
	[sflag:s10] =	ssyncset.done @p1 $0x0  }
0x88: {  	s28 =	simm.s32 @p1 $0x2710;
	[sflag:s10] =	ssyncadd.s32 @p1 $0xFFFFFFB0;
	s10 =	simm.s32 @p1 $0x50  }
0x89: {  	[spmem:s1] =	stream.indirect.scatter.add.f32 @p1 [tilespmem:s20], [sflag:$0x7], $0x80, s28, s10, $0xb8;
	[tilespmem:$0x1D880] =	vst v63  }
0x8a: {  	_ =	swait.ge @p1 [sflag:s21], $0x2800  }
0x8b: {  	s10 =	simm.s32 @!p1 $0x1;
	[sflag:s21] =	ssyncset.done @p1 $0x0  }
0x8c: {  	s20 =	simm.s32 @!p1 $0x50;
	[sflag:s21] =	ssyncadd.s32 @p1 $0xFFFFD800;
	s21 =	simm.s32 @!p1 $0x7800  }
0x8d: {  	[tilespmem:s21], [sflag:$0x3] =	stream.indirect.gather @!p1 [hbm4b:s7+s20], $0x80, s11, s20, $0xb8;
	[tilespmem:$0x1D880] =	vst v63  }
0x8e: {  	s28 =	simm.s32 @!p1 $0x27B0;
	s11 =	sadd.s32 @!p1 $0xFFFFFFF6, s9;
	s21 =	simm.s32 @!p1 $0x0  }
0x8f: {  	[tilespmem:s28], [sflag:$0x6] =	stream.linear.gather @!p1 [hbm4b:s11+s21], $0x50, $0x38;
	[tilespmem:$0x1D880] =	vst v63  }
0x90: {  	_ =	swait.ge @!p1 [sflag:s10], $0x2800  }
0x91: {  	[sflag:s10] =	ssyncset.done @!p1 $0x0  }
0x92: {  	[sflag:s10] =	ssyncadd.s32 @!p1 $0xFFFFD800;
	s10 =	simm.s32 @!p1 $0x4  }
0x93: {  	_ =	swait.ge @!p1 [sflag:s10], $0x50  }
0x94: {  	s11 =	simm.s32 @!p1 $0x7;
	[sflag:s10] =	ssyncset.done @!p1 $0x0  }
0x95: {  	s28 =	simm.s32 @!p1 $0x2800;
	[sflag:s10] =	ssyncadd.s32 @!p1 $0xFFFFFFB0;
	s10 =	simm.s32 @!p1 $0x2710  }
0x96: {  	[spmem:s1] =	stream.indirect.scatter.add.f32 @!p1 [tilespmem:s28], [sflag:$0x7], $0x80, s10, s20, $0xb8;
	[tilespmem:$0x1D880] =	vst v63  }
0x97: {  	_ =	swait.ge @!p1 [sflag:s11], $0x2800  }
0x98: {  	[sflag:s11] =	ssyncset.done @!p1 $0x0  }
0x99: {  	[sflag:s11] =	ssyncadd.s32 @!p1 $0xFFFFD800  }
0x9a: {  	[tilespmem:s28], [sflag:$0x1] =	stream.indirect.gather @!p1 [hbm4b:s7+s20], $0x80, s8, s20, $0xb8;
	[tilespmem:$0x1D880] =	vst v63  }
0x9b: {  	_ = 	snop  }
0x9c: {  	[tilespmem:s10], [sflag:$0x4] =	stream.linear.gather @!p1 [hbm4b:s9+s21], $0x50, $0x38;
	[tilespmem:$0x1D880] =	vst v63  }
0x9d: {  	_ =	swait.ge [sflag:s0], $0x2800  }
.Ltmp0:
0x9e: {  	[sflag:s0] =	ssyncset.done $0x0;
	(pc) =	sbr.rel @p0 .LBB2_2-.Ltmp0, $4  }
0x9f: {  	[sflag:s0] =	ssyncadd.s32 $0xFFFFD800  }
0xa0: {  	_ =	swait.ge [sflag:s2], $0x50  }
0xa1: {  	[sflag:s2] =	ssyncset.done $0x0  }
0xa2: {  	s9 =	sadd.s32 $0x1E, s9;
	[sflag:s2] =	ssyncadd.s32 $0xFFFFFFB0  }
0xa3: {  	[spmem:s1] =	stream.indirect.scatter.add.f32 [tilespmem:s22], [sflag:$0x8], $0x80, s23, s19, $0xb8;
	[tilespmem:$0x1D880] =	vst v63  }
0xa4: {  	_ =	swait.ge [sflag:s4], $0x2800  }
0xa5: {  	[sflag:s4] =	ssyncset.done $0x0  }
0xa6: {  	[sflag:s4] =	ssyncadd.s32 $0xFFFFD800  }
0xa7: {  	[bflag:$0x0] =	sbarrier.arrive $0xFFFF  }
0xa8: {  	s8 =	rddreg [dreg:$0xa]  }
0xa9: {  	[hbm:s8], [sflag:s15] =	dma.local [spmem:s16], $0x2710  }
0xaa: {  	_ =	swait.ge [sflag:s18], $0x2710  }
0xab: {  	[sflag:s18] =	ssyncset.done $0x0  }
0xac: {  	s20 =	rddreg [dreg:$0xb];
	[sflag:s18] =	ssyncadd.s32 $0xFFFFD8F0  }
0xad: {  	[spmem:s16], [sflag:s15] =	dma.local [hbm:s20], $0x2710  }
0xae: {  	_ =	swait.ge [sflag:s18], $0x2710  }
0xaf: {  	[sflag:s18] =	ssyncset.done $0x0  }
0xb0: {  	[sflag:s18] =	ssyncadd.s32 $0xFFFFD8F0  }
0xb1: {  	s10 =	simm.s32 $0x2800;
	s8 =	simm.s32 $0x0;
	[bflag:$0x0] =	sbarrier.arrive $0xFFFF  }
0xb2: {  	[tilespmem:s10], [sflag:$0x1] =	stream.indirect.gather [hbm4b:s14+s19], $0x80, s8, s19, $0xb8;
	[tilespmem:$0x1D880] =	vst v63  }
0xb3: {  	s11 =	simm.s32 $0x2710  }
0xb4: {  	[tilespmem:s11], [sflag:$0x4] =	stream.linear.gather [hbm4b:s29+s8], $0x50, $0x38;
	[tilespmem:$0x1D880] =	vst v63  }
0xb5: {  	_ = 	snop  }
0xb6: {  	[tilespmem:s22], [sflag:$0x2] =	stream.indirect.gather [hbm4b:s14+s19], $0x80, s19, s19, $0xb8;
	[tilespmem:$0x1D880] =	vst v63  }
0xb7: {  	s9 =	rddreg [dreg:$0x7]  }
0xb8: {  	[tilespmem:s23], [sflag:$0x5] =	stream.linear.gather [hbm4b:s9+s8], $0x50, $0x38;
	[tilespmem:$0x1D880] =	vst v63  }
0xb9: {  	s21 =	simm.s32 $0xA0  }
0xba: {  	[tilespmem:s25], [sflag:$0x3] =	stream.indirect.gather [hbm4b:s14+s19], $0x80, s21, s19, $0xb8;
	[tilespmem:$0x1D880] =	vst v63  }
0xbb: {  	s31 =	smov.u32 s29;
	s28 =	rddreg [dreg:$0x8];
	s29 =	simm.s32 $0x1  }
0xbc: {  	[tilespmem:s26], [sflag:$0x6] =	stream.linear.gather [hbm4b:s28+s8], $0x50, $0x38;
	[tilespmem:$0x1D880] =	vst v63  }
0xbd: {  	_ =	swait.ge [sflag:s29], $0x2800  }
0xbe: {  	[sflag:s29] =	ssyncset.done $0x0  }
0xbf: {  	s20 =	simm.s32 $0x4;
	[sflag:s29] =	ssyncadd.s32 $0xFFFFD800  }
0xc0: {  	_ =	swait.ge [sflag:s20], $0x50  }
0xc1: {  	[sflag:s20] =	ssyncset.done $0x0  }
0xc2: {  	[sflag:s20] =	ssyncadd.s32 $0xFFFFFFB0  }
0xc3: {  	[spmem:s1] =	stream.indirect.scatter.add.f32 [tilespmem:s10], [sflag:$0x7], $0x80, s11, s19, $0xb8;
	[tilespmem:$0x1D880] =	vst v63  }
0xc4: {  	_ =	swait.ge [sflag:s30], $0x2800  }
0xc5: {  	[sflag:s30] =	ssyncset.done $0x0  }
0xc6: {  	s21 =	simm.s32 $0xF0;
	[sflag:s30] =	ssyncadd.s32 $0xFFFFD800  }
0xc7: {  	[tilespmem:s10], [sflag:$0x1] =	stream.indirect.gather [hbm4b:s14+s19], $0x80, s21, s19, $0xb8;
	[tilespmem:$0x1D880] =	vst v63  }
0xc8: {  	s28 =	rddreg [dreg:$0x9]  }
0xc9: {  	[tilespmem:s11], [sflag:$0x4] =	stream.linear.gather [hbm4b:s28+s8], $0x50, $0x38;
	[tilespmem:$0x1D880] =	vst v63  }
0xca: {  	_ =	swait.ge [sflag:s0], $0x2800  }
0xcb: {  	[sflag:s0] =	ssyncset.done $0x0  }
0xcc: {  	[sflag:s0] =	ssyncadd.s32 $0xFFFFD800  }
0xcd: {  	_ =	swait.ge [sflag:s2], $0x50  }
0xce: {  	[sflag:s2] =	ssyncset.done $0x0  }
0xcf: {  	[sflag:s2] =	ssyncadd.s32 $0xFFFFFFB0  }
0xd0: {  	[spmem:s1] =	stream.indirect.scatter.add.f32 [tilespmem:s22], [sflag:$0x8], $0x80, s23, s19, $0xb8;
	[tilespmem:$0x1D880] =	vst v63  }
0xd1: {  	_ =	swait.ge [sflag:s4], $0x2800  }
0xd2: {  	[sflag:s4] =	ssyncset.done $0x0  }
0xd3: {  	s29 =	simm.s32 $0x140;
	[sflag:s4] =	ssyncadd.s32 $0xFFFFD800  }
0xd4: {  	[tilespmem:s22], [sflag:$0x2] =	stream.indirect.gather [hbm4b:s14+s19], $0x80, s29, s19, $0xb8;
	[tilespmem:$0x1D880] =	vst v63  }
0xd5: {  	_ = 	snop  }
0xd6: {  	[tilespmem:s23], [sflag:$0x5] =	stream.linear.gather [hbm4b:s24+s3], $0x50, $0x38;
	[tilespmem:$0x1D880] =	vst v63  }
0xd7: {  	_ =	swait.ge [sflag:s5], $0x2800  }
0xd8: {  	[sflag:s5] =	ssyncset.done $0x0  }
0xd9: {  	[sflag:s5] =	ssyncadd.s32 $0xFFFFD800  }
0xda: {  	_ =	swait.ge [sflag:s6], $0x50  }
0xdb: {  	[sflag:s6] =	ssyncset.done $0x0  }
0xdc: {  	[sflag:s6] =	ssyncadd.s32 $0xFFFFFFB0  }
0xdd: {  	[spmem:s1] =	stream.indirect.scatter.add.f32 [tilespmem:s25], [sflag:$0x9], $0x80, s26, s19, $0xb8;
	[tilespmem:$0x1D880] =	vst v63  }
0xde: {  	_ =	swait.ge [sflag:s12], $0x2800  }
0xdf: {  	p0 =	por $0x0, $0x0;
	[sflag:s12] =	ssyncset.done $0x0  }
0xe0: {  	s8 =	simm.s32 @p0 $0x1;
	[sflag:s12] =	ssyncadd.s32 $0xFFFFD800  }
0xe1: {  	_ =	swait.ge @p0 [sflag:s8], $0x2800  }
0xe2: {  	[sflag:s8] =	ssyncset.done @p0 $0x0  }
0xe3: {  	[sflag:s8] =	ssyncadd.s32 @p0 $0xFFFFD800;
	s8 =	simm.s32 @p0 $0x4  }
0xe4: {  	_ =	swait.ge @p0 [sflag:s8], $0x50  }
0xe5: {  	s9 =	simm.s32 @p0 $0x2800;
	s10 =	simm.s32 @p0 $0x7;
	[sflag:s8] =	ssyncset.done @p0 $0x0  }
0xe6: {  	s11 =	simm.s32 @p0 $0x2710;
	[sflag:s8] =	ssyncadd.s32 @p0 $0xFFFFFFB0;
	s8 =	simm.s32 @p0 $0x50  }
0xe7: {  	[spmem:s1] =	stream.indirect.scatter.add.f32 @p0 [tilespmem:s9], [sflag:$0x7], $0x80, s11, s8, $0xb8;
	[tilespmem:$0x1D880] =	vst v63  }
0xe8: {  	_ =	swait.ge @p0 [sflag:s10], $0x2800  }
0xe9: {  	s20 =	simm.s32 @!p0 $0x27B0;
	s8 =	simm.s32 @!p0 $0x190;
	[sflag:s10] =	ssyncset.done @p0 $0x0  }
0xea: {  	s11 =	simm.s32 @!p0 $0x7800;
	[sflag:s10] =	ssyncadd.s32 @p0 $0xFFFFD800;
	s10 =	simm.s32 @!p0 $0x50  }
0xeb: {  	[tilespmem:s11], [sflag:$0x3] =	stream.indirect.gather @!p0 [hbm4b:s14+s10], $0x80, s8, s10, $0xb8;
	[tilespmem:$0x1D880] =	vst v63  }
0xec: {  	s9 =	simm.s32 @!p0 $0x1;
	s8 =	sadd.s32 @!p0 $0xFFFFFFF6, s17;
	s11 =	simm.s32 @!p0 $0x0  }
0xed: {  	[tilespmem:s20], [sflag:$0x6] =	stream.linear.gather @!p0 [hbm4b:s8+s11], $0x50, $0x38;
	[tilespmem:$0x1D880] =	vst v63  }
0xee: {  	_ =	swait.ge @!p0 [sflag:s9], $0x2800  }
0xef: {  	[sflag:s9] =	ssyncset.done @!p0 $0x0  }
0xf0: {  	s8 =	simm.s32 @!p0 $0x4;
	[sflag:s9] =	ssyncadd.s32 @!p0 $0xFFFFD800  }
0xf1: {  	_ =	swait.ge @!p0 [sflag:s8], $0x50  }
0xf2: {  	s20 =	simm.s32 @!p0 $0x2800;
	[sflag:s8] =	ssyncset.done @!p0 $0x0  }
0xf3: {  	s9 =	simm.s32 @!p0 $0x7;
	[sflag:s8] =	ssyncadd.s32 @!p0 $0xFFFFFFB0;
	s8 =	simm.s32 @!p0 $0x2710  }
0xf4: {  	[spmem:s1] =	stream.indirect.scatter.add.f32 @!p0 [tilespmem:s20], [sflag:$0x7], $0x80, s8, s10, $0xb8;
	[tilespmem:$0x1D880] =	vst v63  }
0xf5: {  	_ =	swait.ge @!p0 [sflag:s9], $0x2800  }
0xf6: {  	[sflag:s9] =	ssyncset.done @!p0 $0x0  }
0xf7: {  	[sflag:s9] =	ssyncadd.s32 @!p0 $0xFFFFD800;
	s9 =	simm.s32 @!p0 $0x1E0  }
0xf8: {  	[tilespmem:s20], [sflag:$0x1] =	stream.indirect.gather @!p0 [hbm4b:s14+s10], $0x80, s9, s10, $0xb8;
	[tilespmem:$0x1D880] =	vst v63  }
0xf9: {  	_ = 	snop  }
0xfa: {  	[tilespmem:s8], [sflag:$0x4] =	stream.linear.gather @!p0 [hbm4b:s17+s11], $0x50, $0x38;
	[tilespmem:$0x1D880] =	vst v63  }
0xfb: {  	_ =	swait.ge [sflag:s0], $0x2800  }
0xfc: {  	[sflag:s0] =	ssyncset.done $0x0  }
0xfd: {  	[sflag:s0] =	ssyncadd.s32 $0xFFFFD800  }
0xfe: {  	_ =	swait.ge [sflag:s2], $0x50  }
0xff: {  	[sflag:s2] =	ssyncset.done $0x0  }
0x100: {  	s24 =	simm.s32 $0x3C0;
	s9 =	sadd.s32 $0x1E, s17;
	[sflag:s2] =	ssyncadd.s32 $0xFFFFFFB0  }
.LBB2_4:
0x101: {  	[spmem:s1] =	stream.indirect.scatter.add.f32 [tilespmem:s22], [sflag:$0x8], $0x80, s23, s19, $0xb8;
	[tilespmem:$0x1D880] =	vst v63  }
0x102: {  	s8 =	smov.u32 s24;
	s24 =	sadd.s32 $0x3C0, s24;
	_ =	swait.ge [sflag:s4], $0x2800  }
0x103: {  	s10 =	sshra.s32 s8, $0x2;
	p0 =	sne.s32 s24, $0x99C0;
	[sflag:s4] =	ssyncset.done $0x0  }
0x104: {  	s10 =	sadd.s32 $0x140, s10;
	[sflag:s4] =	ssyncadd.s32 $0xFFFFD800  }
0x105: {  	[tilespmem:s22], [sflag:$0x2] =	stream.indirect.gather [hbm4b:s14+s19], $0x80, s10, s19, $0xb8;
	[tilespmem:$0x1D880] =	vst v63  }
0x106: {  	s10 =	sadd.s32 $0xFFFFFFEC, s9  }
0x107: {  	[tilespmem:s23], [sflag:$0x5] =	stream.linear.gather [hbm4b:s10+s3], $0x50, $0x38;
	[tilespmem:$0x1D880] =	vst v63  }
0x108: {  	_ =	swait.ge [sflag:s5], $0x2800  }
0x109: {  	[sflag:s5] =	ssyncset.done $0x0  }
0x10a: {  	[sflag:s5] =	ssyncadd.s32 $0xFFFFD800  }
0x10b: {  	_ =	swait.ge [sflag:s6], $0x50  }
0x10c: {  	[sflag:s6] =	ssyncset.done $0x0  }
0x10d: {  	[sflag:s6] =	ssyncadd.s32 $0xFFFFFFB0  }
0x10e: {  	[spmem:s1] =	stream.indirect.scatter.add.f32 [tilespmem:s25], [sflag:$0x9], $0x80, s26, s19, $0xb8;
	[tilespmem:$0x1D880] =	vst v63  }
0x10f: {  	_ =	swait.ge [sflag:s12], $0x2800  }
0x110: {  	p1 =	seq.s32 s8, $0x9600;
	[sflag:s12] =	ssyncset.done $0x0  }
0x111: {  	s8 =	sshra.s32 @!p1 s8, $0x2;
	s10 =	simm.s32 @p1 $0x1;
	[sflag:s12] =	ssyncadd.s32 $0xFFFFD800  }
0x112: {  	s11 =	sadd.s32 @!p1 $0x190, s8;
	s8 =	sadd.s32 @!p1 $0x1E0, s8;
	_ =	swait.ge @p1 [sflag:s10], $0x2800  }
0x113: {  	[sflag:s10] =	ssyncset.done @p1 $0x0  }
0x114: {  	[sflag:s10] =	ssyncadd.s32 @p1 $0xFFFFD800;
	s10 =	simm.s32 @p1 $0x4  }
0x115: {  	_ =	swait.ge @p1 [sflag:s10], $0x50  }
0x116: {  	s20 =	simm.s32 @p1 $0x2800;
	s21 =	simm.s32 @p1 $0x7;
	[sflag:s10] =	ssyncset.done @p1 $0x0  }
0x117: {  	s28 =	simm.s32 @p1 $0x2710;
	[sflag:s10] =	ssyncadd.s32 @p1 $0xFFFFFFB0;
	s10 =	simm.s32 @p1 $0x50  }
0x118: {  	[spmem:s1] =	stream.indirect.scatter.add.f32 @p1 [tilespmem:s20], [sflag:$0x7], $0x80, s28, s10, $0xb8;
	[tilespmem:$0x1D880] =	vst v63  }
0x119: {  	_ =	swait.ge @p1 [sflag:s21], $0x2800  }
0x11a: {  	s10 =	simm.s32 @!p1 $0x1;
	[sflag:s21] =	ssyncset.done @p1 $0x0  }
0x11b: {  	s20 =	simm.s32 @!p1 $0x50;
	[sflag:s21] =	ssyncadd.s32 @p1 $0xFFFFD800;
	s21 =	simm.s32 @!p1 $0x7800  }
0x11c: {  	[tilespmem:s21], [sflag:$0x3] =	stream.indirect.gather @!p1 [hbm4b:s14+s20], $0x80, s11, s20, $0xb8;
	[tilespmem:$0x1D880] =	vst v63  }
0x11d: {  	s28 =	simm.s32 @!p1 $0x27B0;
	s11 =	sadd.s32 @!p1 $0xFFFFFFF6, s9;
	s21 =	simm.s32 @!p1 $0x0  }
0x11e: {  	[tilespmem:s28], [sflag:$0x6] =	stream.linear.gather @!p1 [hbm4b:s11+s21], $0x50, $0x38;
	[tilespmem:$0x1D880] =	vst v63  }
0x11f: {  	_ =	swait.ge @!p1 [sflag:s10], $0x2800  }
0x120: {  	[sflag:s10] =	ssyncset.done @!p1 $0x0  }
0x121: {  	[sflag:s10] =	ssyncadd.s32 @!p1 $0xFFFFD800;
	s10 =	simm.s32 @!p1 $0x4  }
0x122: {  	_ =	swait.ge @!p1 [sflag:s10], $0x50  }
0x123: {  	s11 =	simm.s32 @!p1 $0x7;
	[sflag:s10] =	ssyncset.done @!p1 $0x0  }
0x124: {  	s28 =	simm.s32 @!p1 $0x2800;
	[sflag:s10] =	ssyncadd.s32 @!p1 $0xFFFFFFB0;
	s10 =	simm.s32 @!p1 $0x2710  }
0x125: {  	[spmem:s1] =	stream.indirect.scatter.add.f32 @!p1 [tilespmem:s28], [sflag:$0x7], $0x80, s10, s20, $0xb8;
	[tilespmem:$0x1D880] =	vst v63  }
0x126: {  	_ =	swait.ge @!p1 [sflag:s11], $0x2800  }
0x127: {  	[sflag:s11] =	ssyncset.done @!p1 $0x0  }
0x128: {  	[sflag:s11] =	ssyncadd.s32 @!p1 $0xFFFFD800  }
0x129: {  	[tilespmem:s28], [sflag:$0x1] =	stream.indirect.gather @!p1 [hbm4b:s14+s20], $0x80, s8, s20, $0xb8;
	[tilespmem:$0x1D880] =	vst v63  }
0x12a: {  	_ = 	snop  }
0x12b: {  	[tilespmem:s10], [sflag:$0x4] =	stream.linear.gather @!p1 [hbm4b:s9+s21], $0x50, $0x38;
	[tilespmem:$0x1D880] =	vst v63  }
0x12c: {  	_ =	swait.ge [sflag:s0], $0x2800  }
.Ltmp1:
0x12d: {  	[sflag:s0] =	ssyncset.done $0x0;
	(pc) =	sbr.rel @p0 .LBB2_4-.Ltmp1, $4  }
0x12e: {  	[sflag:s0] =	ssyncadd.s32 $0xFFFFD800  }
0x12f: {  	_ =	swait.ge [sflag:s2], $0x50  }
0x130: {  	[sflag:s2] =	ssyncset.done $0x0  }
0x131: {  	s9 =	sadd.s32 $0x1E, s9;
	[sflag:s2] =	ssyncadd.s32 $0xFFFFFFB0  }
0x132: {  	[spmem:s1] =	stream.indirect.scatter.add.f32 [tilespmem:s22], [sflag:$0x8], $0x80, s23, s19, $0xb8;
	[tilespmem:$0x1D880] =	vst v63  }
0x133: {  	_ =	swait.ge [sflag:s4], $0x2800  }
0x134: {  	[sflag:s4] =	ssyncset.done $0x0  }
0x135: {  	[sflag:s4] =	ssyncadd.s32 $0xFFFFD800  }
0x136: {  	[bflag:$0x0] =	sbarrier.arrive $0xFFFF  }
0x137: {  	s8 =	rddreg [dreg:$0xc]  }
0x138: {  	[hbm:s8], [sflag:s15] =	dma.local [spmem:s16], $0x2710  }
0x139: {  	_ =	swait.ge [sflag:s18], $0x2710  }
0x13a: {  	s13 =	sadd.s32 $0x1, s13;
	s29 =	rddreg [dreg:$0xd]  }
0x13b: {  	p0 =	sne.s32 s13, s29  }
.Ltmp2:
0x13c: {  	_ = 	snop;
	(pc) =	sbr.rel @p0 .LBB2_1-.Ltmp2, $3  }
0x13d: {  	_ =	sdelay $0x1  }
0x13e: {  	[sflag:s18] =	ssyncset.done $0x0  }
0x13f: {  	[sflag:s18] =	ssyncadd.s32 $0xFFFFD8F0  }
0x140: {  	_ =	sfence.sel $0x180000  }
0x141: {  	[bflag:$0x0] =	sbarrier.arrive $0xFFFF  }
0x142: {  	_ =	strace $0x9000004A  }
0x143: {  	s0 =	stileid.u32;
	[bflag:$0x2] =	sbarrier.arrive $0xFFFF  }
0x144: {  	p0 =	sne.s32 s0, $0x0;
	s0 =	rddreg [dreg:$0x3]  }
0x145: {  	s0 =	sadd.s32 @!p0 $0x100000, s0  }
0x146: {  	[sflag:s0] =	ssyncadd.tile.s32 @!p0 $0x1;
	_ =	shalt  }
.Lfunc_end2:
_tile_overlayer_lowered:
.L_overlay_start_2:
0x147: {  	(tag) =	ssettag $0x2  }
0x148: {  	s0 =	rddreg [dreg:$0x0];
	s2 =	stileid.u32  }
0x149: {  	s1 =	rddreg [dreg:$0x1];
	p0 =	sne.s32 s2, $0x0  }
0x14a: {  	s3 =	rddreg [dreg:$0x2];
	[bflag:$0x3] =	sbarrier.arrive $0xFFFF;
	s2 =	simm.s32 @!p0 $0x1C0A  }
0x14b: {  	[timem:s3], [sflag:s2] =	dma.local @!p0 [hbm:s0], s1  }
0x14c: {  	s0 =	simm.s32 @!p0 $0xA  }
0x14d: {  	_ =	swait.ge @!p0 [sflag:s0], s1  }
0x14e: {  	s1 =	ssub.s32 @!p0 $0x0, s1;
	[sflag:s0] =	ssyncset.done @!p0 $0x0  }
0x14f: {  	[sflag:s0] =	ssyncadd.s32 @!p0 s1  }
0x150: {  	[bflag:$0x3] =	sbarrier.arrive $0xFFFF  }
0x151: {  	_ =	shalt  }

</sc_bundles>
